<compile_context>
chip_gen: v7x
topology: tpu7x:2x2x1
jax: 0.10.2.dev20260603
libtpu: 0.0.44.dev20260713+nightly
codegen_flags: <defaults>
</compile_context>

<pallas_src>
import functools

import jax
import jax.numpy as jnp
from jax import lax
from jax.experimental import pallas as pl
from jax.experimental.pallas import tpu as pltpu
from jax.experimental.pallas import tpu_sc as plsc



def _rank_body(ts_ref, idx_ref, *, rows, seq):
    ts = ts_ref[...]
    tj = ts[:, :, None]
    tk = ts[:, None, :]
    jj = lax.broadcasted_iota(jnp.int32, (seq, seq), 0)
    kk = lax.broadcasted_iota(jnp.int32, (seq, seq), 1)
    tri = (kk < jj)[None]
    smaller = (tk < tj) | ((tk == tj) & tri)
    rank = jnp.sum(jnp.where(smaller, 1.0, 0.0), axis=2)
    base = pl.program_id(0) * rows
    r_iota = lax.broadcasted_iota(jnp.int32, (rows, seq), 0)
    idx_ref[...] = rank.astype(jnp.int32) + (base + r_iota) * seq


def _scatter_indices(ts, rows=8):
    batch, seq = ts.shape
    return pl.pallas_call(
        functools.partial(_rank_body, rows=rows, seq=seq),
        grid=(batch // rows,),
        in_specs=[pl.BlockSpec((rows, seq), lambda b: (b, 0))],
        out_specs=pl.BlockSpec((rows, seq), lambda b: (b, 0)),
        out_shape=jax.ShapeDtypeStruct((batch, seq), jnp.int32),
    )(ts)



_NC, _NS = 2, 16
_NW = _NC * _NS
_CH = 8


def _sc_scatter(idx, emb):
    batch, seq = idx.shape
    dim = emb.shape[-1]
    half = seq // 2
    bpw = batch // _NW
    nch = bpw // _CH
    idx3 = idx.reshape(batch * 2, half)
    emb3 = emb.reshape(2, half, dim)

    mesh = plsc.VectorSubcoreMesh(core_axis_name="c", subcore_axis_name="s")

    @functools.partial(
        pl.kernel,
        mesh=mesh,
        compiler_params=pltpu.CompilerParams(use_tc_tiling_on_sc=False),
        out_type=jax.ShapeDtypeStruct((batch * seq, dim), jnp.float32),
        scratch_types=[
            pltpu.VMEM((2, half, dim), jnp.float32),
            pltpu.VMEM((2, 2 * _CH, half), jnp.int32),
            pltpu.SemaphoreType.DMA,
            pltpu.SemaphoreType.DMA,
            pltpu.SemaphoreType.DMA,
        ],
    )
    def sck(idx_hbm, emb_hbm, out_hbm, table_v, idx_v, sem_tab, sem_idx,
            sem_out):
        wid = lax.axis_index("s") * _NC + lax.axis_index("c")
        row0 = wid * bpw * 2

        tab = pltpu.async_copy(emb_hbm, table_v, sem_tab)
        idx0 = pltpu.async_copy(
            idx_hbm.at[pl.ds(row0, 2 * _CH)], idx_v.at[0], sem_idx)
        tab.wait()
        idx0.wait()

        def chunk(c, _):
            buf = lax.rem(c, 2)
            scats = [
                pltpu.async_copy(
                    table_v.at[q % 2],
                    out_hbm.at[idx_v.at[buf, q]], sem_out)
                for q in range(2 * _CH)
            ]

            @pl.when(c + 1 < nch)
            def _prefetch():
                nxt = pltpu.async_copy(
                    idx_hbm.at[pl.ds(row0 + (c + 1) * 2 * _CH, 2 * _CH)],
                    idx_v.at[1 - buf], sem_idx)
                nxt.wait()

            for s in scats:
                s.wait()
            return _

        lax.fori_loop(0, nch, chunk, None)

    return sck(idx3, emb3)


def kernel(ts, pos_embeddings):
    batch, seq = ts.shape
    dim = pos_embeddings.shape[-1]
    idx = _scatter_indices(ts)
    out = _sc_scatter(idx, pos_embeddings)
    return out.reshape(batch, seq, dim)

# --- scband reference (transcript-rebuilt; emitter-appended) ---
"""Pipeline reference for scband-pos-encode-78709570666973 (READ-ONLY COPY).

The authoritative reference and input builder live on the scoring server;
editing this copy changes nothing except your own understanding.
"""

import jax, jax.numpy as jnp
import numpy as np

DIM = 64
SEQ_LEN = 200
BATCH = 16384
HIST = 200

def setup_inputs(seed: int = 0) -> dict:
    key = jax.random.key(seed)
    k_ts, k_emb = jax.random.split(key)
    ts = jax.random.normal(k_ts, (BATCH, HIST), dtype=jnp.float32)
    pos_embeddings = jax.random.normal(k_emb, (SEQ_LEN, DIM), dtype=jnp.float32)
    return {"ts": ts, "pos_embeddings": pos_embeddings}

def reference(ts, pos_embeddings):
    # torch.argsort defaults to the last dim; same for jnp.argsort
    order = jnp.argsort(ts, axis=-1)  # int indices in [0, HIST)
    ts_emb = jnp.take(pos_embeddings, order, axis=0)  # embedding lookup (gather)
    return ts_emb

if __name__ == "__main__":
    import jax
    _d = setup_inputs()
    print(jax.jit(kernel)(*tuple(_d.values())))

</pallas_src>

<mosaic_0001>
#map = affine_map<(d0, d1) -> (0, 0)>
#map1 = affine_map<(d0, d1) -> (0, 0, 0)>
module attributes {stable_mosaic.version = 14 : i64} {
  func.func @sck(%arg0: i32, %arg1: i32, %arg2: memref<32768x100xi32, #tpu.memory_space<hbm>>, %arg3: memref<2x100x64xf32, #tpu.memory_space<hbm>>, %arg4: memref<3276800x64xf32, #tpu.memory_space<hbm>>, %arg5: memref<2x100x64xf32, #tpu.memory_space<vmem>>, %arg6: memref<2x16x100xi32, #tpu.memory_space<vmem>>, %arg7: memref<!tpu.dma_semaphore, #tpu.memory_space<semaphore_mem>>, %arg8: memref<!tpu.dma_semaphore, #tpu.memory_space<semaphore_mem>>, %arg9: memref<!tpu.dma_semaphore, #tpu.memory_space<semaphore_mem>>) attributes {dimension_semantics = [#tpu.dimension_semantics<core_parallel>, #tpu.dimension_semantics<subcore_parallel>], iteration_bounds = array<i64: 2, 16>, scalar_prefetch = 0 : i64, scratch_operands = 5 : i64, tpu.core_type = #tpu.core_type<sc_vector_subcore>, window_params = [{transform_indices = #map}, {transform_indices = #map1}, {transform_indices = #map}]} {
    %mul3A = arith.constant 2 : i32
    %mul3A_0 = arith.muli %arg1, %mul3A : i32
    %add3A = arith.addi %mul3A_0, %arg0 : i32
    %mul3A_1 = arith.constant 512 : i32
    %mul3A_2 = arith.muli %add3A, %mul3A_1 : i32
    %mul3A_3 = arith.constant 2 : i32
    %mul3A_4 = arith.muli %mul3A_2, %mul3A_3 : i32
    tpu.enqueue_dma source(%arg3 : memref<2x100x64xf32, #tpu.memory_space<hbm>>) target(%arg5 : memref<2x100x64xf32, #tpu.memory_space<vmem>>) target_semaphore(%arg7 : memref<!tpu.dma_semaphore, #tpu.memory_space<semaphore_mem>>)
    %dma_start3A = arith.constant 0 : i32
    %dma_start3A_5 = arith.constant 0 : i32
    %dma_start3A_6 = arith.constant 0 : i32
    %dma_start3A_7 = tpu.memref_slice %arg6[%dma_start3A, %dma_start3A_5, %dma_start3A_6] : memref<2x16x100xi32, #tpu.memory_space<vmem>> -> memref<1x16x100xi32, #tpu.memory_space<vmem>>
    %dma_start3A_8 = tpu.memref_squeeze %dma_start3A_7 : memref<1x16x100xi32, #tpu.memory_space<vmem>> -> memref<16x100xi32, #tpu.memory_space<vmem>>
    %dma_start3A_9 = arith.constant 0 : i32
    %dma_start3A_10 = tpu.memref_slice %arg2[%mul3A_4, %dma_start3A_9] : memref<32768x100xi32, #tpu.memory_space<hbm>> -> memref<16x100xi32, #tpu.memory_space<hbm>>
    %dma_start3A_11 = arith.constant 0 : i32
    %dma_start3A_12 = arith.constant 0 : i32
    %dma_start3A_13 = tpu.memref_slice %arg6[%dma_start3A, %dma_start3A_11, %dma_start3A_12] : memref<2x16x100xi32, #tpu.memory_space<vmem>> -> memref<1x16x100xi32, #tpu.memory_space<vmem>>
    %dma_start3A_14 = tpu.memref_squeeze %dma_start3A_13 : memref<1x16x100xi32, #tpu.memory_space<vmem>> -> memref<16x100xi32, #tpu.memory_space<vmem>>
    %dma_start3A_15 = arith.constant 0 : i32
    %dma_start3A_16 = tpu.memref_slice %arg2[%mul3A_4, %dma_start3A_15] : memref<32768x100xi32, #tpu.memory_space<hbm>> -> memref<16x100xi32, #tpu.memory_space<hbm>>
    tpu.enqueue_dma source(%dma_start3A_16 : memref<16x100xi32, #tpu.memory_space<hbm>>) target(%dma_start3A_14 : memref<16x100xi32, #tpu.memory_space<vmem>>) target_semaphore(%arg8 : memref<!tpu.dma_semaphore, #tpu.memory_space<semaphore_mem>>)
    tpu.wait_dma2 semaphore(%arg7 : memref<!tpu.dma_semaphore, #tpu.memory_space<semaphore_mem>>) src(%arg3 : memref<2x100x64xf32, #tpu.memory_space<hbm>>) dst(%arg5 : memref<2x100x64xf32, #tpu.memory_space<vmem>>)
    %dma_wait3A = arith.constant 0 : i32
    %dma_wait3A_17 = arith.constant 0 : i32
    %dma_wait3A_18 = arith.constant 0 : i32
    %dma_wait3A_19 = tpu.memref_slice %arg6[%dma_wait3A, %dma_wait3A_17, %dma_wait3A_18] : memref<2x16x100xi32, #tpu.memory_space<vmem>> -> memref<1x16x100xi32, #tpu.memory_space<vmem>>
    %dma_wait3A_20 = tpu.memref_squeeze %dma_wait3A_19 : memref<1x16x100xi32, #tpu.memory_space<vmem>> -> memref<16x100xi32, #tpu.memory_space<vmem>>
    %dma_wait3A_21 = arith.constant 0 : i32
    %dma_wait3A_22 = tpu.memref_slice %arg2[%mul3A_4, %dma_wait3A_21] : memref<32768x100xi32, #tpu.memory_space<hbm>> -> memref<16x100xi32, #tpu.memory_space<hbm>>
    %dma_wait3A_23 = arith.constant 0 : i32
    %dma_wait3A_24 = arith.constant 0 : i32
    %dma_wait3A_25 = tpu.memref_slice %arg6[%dma_wait3A, %dma_wait3A_23, %dma_wait3A_24] : memref<2x16x100xi32, #tpu.memory_space<vmem>> -> memref<1x16x100xi32, #tpu.memory_space<vmem>>
    %dma_wait3A_26 = tpu.memref_squeeze %dma_wait3A_25 : memref<1x16x100xi32, #tpu.memory_space<vmem>> -> memref<16x100xi32, #tpu.memory_space<vmem>>
    %dma_wait3A_27 = arith.constant 0 : i32
    %dma_wait3A_28 = tpu.memref_slice %arg2[%mul3A_4, %dma_wait3A_27] : memref<32768x100xi32, #tpu.memory_space<hbm>> -> memref<16x100xi32, #tpu.memory_space<hbm>>
    tpu.wait_dma2 semaphore(%arg8 : memref<!tpu.dma_semaphore, #tpu.memory_space<semaphore_mem>>) src(%dma_wait3A_28 : memref<16x100xi32, #tpu.memory_space<hbm>>) dst(%dma_wait3A_26 : memref<16x100xi32, #tpu.memory_space<vmem>>)
    %scan3A = arith.constant 0 : i32
    %scan3A_29 = arith.constant 64 : i32
    %scan3A_30 = arith.addi %scan3A, %scan3A_29 : i32
    %scan3A_31 = arith.constant 1 : i32
    scf.for %scan3A_33 = %scan3A to %scan3A_30 step %scan3A_31  : i32 {
      %rem3A = arith.constant 2 : i32
      %rem3A_34 = arith.remsi %scan3A_33, %rem3A : i32
      %dma_start3A_35 = arith.constant 0 : i32
      %dma_start3A_36 = arith.constant 0 : i32
      %dma_start3A_37 = arith.constant 0 : i32
      %dma_start3A_38 = arith.constant 0 : i32
      %dma_start3A_39 = tpu.memref_slice %arg5[%dma_start3A_35, %dma_start3A_37, %dma_start3A_38] : memref<2x100x64xf32, #tpu.memory_space<vmem>> -> memref<1x100x64xf32, #tpu.memory_space<vmem>>
      %dma_start3A_40 = tpu.memref_squeeze %dma_start3A_39 : memref<1x100x64xf32, #tpu.memory_space<vmem>> -> memref<100x64xf32, #tpu.memory_space<vmem>>
      %dma_start3A_41 = arith.constant 0 : i32
      %dma_start3A_42 = tpu.memref_slice %arg6[%rem3A_34, %dma_start3A_36, %dma_start3A_41] : memref<2x16x100xi32, #tpu.memory_space<vmem>> -> memref<1x1x100xi32, #tpu.memory_space<vmem>>
      %dma_start3A_43 = tpu.memref_squeeze %dma_start3A_42 : memref<1x1x100xi32, #tpu.memory_space<vmem>> -> memref<100xi32, #tpu.memory_space<vmem>>
      %dma_start3A_44 = arith.constant 0 : i32
      %dma_start3A_45 = arith.constant 0 : i32
      %dma_start3A_46 = tpu.memref_slice %arg4[%dma_start3A_44, %dma_start3A_45] : memref<3276800x64xf32, #tpu.memory_space<hbm>> -> memref<3276800x64xf32, #tpu.memory_space<hbm>>
      tpu.enqueue_indirect_dma source(%dma_start3A_40 : memref<100x64xf32, #tpu.memory_space<vmem>>) target(%dma_start3A_46 : memref<3276800x64xf32, #tpu.memory_space<hbm>>) offsets(%dma_start3A_43 : memref<100xi32, #tpu.memory_space<vmem>>) semaphore(%arg9 : memref<!tpu.dma_semaphore, #tpu.memory_space<semaphore_mem>>)
      %dma_start3A_47 = arith.constant 1 : i32
      %dma_start3A_48 = arith.constant 1 : i32
      %dma_start3A_49 = arith.constant 0 : i32
      %dma_start3A_50 = arith.constant 0 : i32
      %dma_start3A_51 = tpu.memref_slice %arg5[%dma_start3A_47, %dma_start3A_49, %dma_start3A_50] : memref<2x100x64xf32, #tpu.memory_space<vmem>> -> memref<1x100x64xf32, #tpu.memory_space<vmem>>
      %dma_start3A_52 = tpu.memref_squeeze %dma_start3A_51 : memref<1x100x64xf32, #tpu.memory_space<vmem>> -> memref<100x64xf32, #tpu.memory_space<vmem>>
      %dma_start3A_53 = arith.constant 0 : i32
      %dma_start3A_54 = tpu.memref_slice %arg6[%rem3A_34, %dma_start3A_48, %dma_start3A_53] : memref<2x16x100xi32, #tpu.memory_space<vmem>> -> memref<1x1x100xi32, #tpu.memory_space<vmem>>
      %dma_start3A_55 = tpu.memref_squeeze %dma_start3A_54 : memref<1x1x100xi32, #tpu.memory_space<vmem>> -> memref<100xi32, #tpu.memory_space<vmem>>
      %dma_start3A_56 = arith.constant 0 : i32
      %dma_start3A_57 = arith.constant 0 : i32
      %dma_start3A_58 = tpu.memref_slice %arg4[%dma_start3A_56, %dma_start3A_57] : memref<3276800x64xf32, #tpu.memory_space<hbm>> -> memref<3276800x64xf32, #tpu.memory_space<hbm>>
      tpu.enqueue_indirect_dma source(%dma_start3A_52 : memref<100x64xf32, #tpu.memory_space<vmem>>) target(%dma_start3A_58 : memref<3276800x64xf32, #tpu.memory_space<hbm>>) offsets(%dma_start3A_55 : memref<100xi32, #tpu.memory_space<vmem>>) semaphore(%arg9 : memref<!tpu.dma_semaphore, #tpu.memory_space<semaphore_mem>>)
      %dma_start3A_59 = arith.constant 0 : i32
      %dma_start3A_60 = arith.constant 2 : i32
      %dma_start3A_61 = arith.constant 0 : i32
      %dma_start3A_62 = arith.constant 0 : i32
      %dma_start3A_63 = tpu.memref_slice %arg5[%dma_start3A_59, %dma_start3A_61, %dma_start3A_62] : memref<2x100x64xf32, #tpu.memory_space<vmem>> -> memref<1x100x64xf32, #tpu.memory_space<vmem>>
      %dma_start3A_64 = tpu.memref_squeeze %dma_start3A_63 : memref<1x100x64xf32, #tpu.memory_space<vmem>> -> memref<100x64xf32, #tpu.memory_space<vmem>>
      %dma_start3A_65 = arith.constant 0 : i32
      %dma_start3A_66 = tpu.memref_slice %arg6[%rem3A_34, %dma_start3A_60, %dma_start3A_65] : memref<2x16x100xi32, #tpu.memory_space<vmem>> -> memref<1x1x100xi32, #tpu.memory_space<vmem>>
      %dma_start3A_67 = tpu.memref_squeeze %dma_start3A_66 : memref<1x1x100xi32, #tpu.memory_space<vmem>> -> memref<100xi32, #tpu.memory_space<vmem>>
      %dma_start3A_68 = arith.constant 0 : i32
      %dma_start3A_69 = arith.constant 0 : i32
      %dma_start3A_70 = tpu.memref_slice %arg4[%dma_start3A_68, %dma_start3A_69] : memref<3276800x64xf32, #tpu.memory_space<hbm>> -> memref<3276800x64xf32, #tpu.memory_space<hbm>>
      tpu.enqueue_indirect_dma source(%dma_start3A_64 : memref<100x64xf32, #tpu.memory_space<vmem>>) target(%dma_start3A_70 : memref<3276800x64xf32, #tpu.memory_space<hbm>>) offsets(%dma_start3A_67 : memref<100xi32, #tpu.memory_space<vmem>>) semaphore(%arg9 : memref<!tpu.dma_semaphore, #tpu.memory_space<semaphore_mem>>)
      %dma_start3A_71 = arith.constant 1 : i32
      %dma_start3A_72 = arith.constant 3 : i32
      %dma_start3A_73 = arith.constant 0 : i32
      %dma_start3A_74 = arith.constant 0 : i32
      %dma_start3A_75 = tpu.memref_slice %arg5[%dma_start3A_71, %dma_start3A_73, %dma_start3A_74] : memref<2x100x64xf32, #tpu.memory_space<vmem>> -> memref<1x100x64xf32, #tpu.memory_space<vmem>>
      %dma_start3A_76 = tpu.memref_squeeze %dma_start3A_75 : memref<1x100x64xf32, #tpu.memory_space<vmem>> -> memref<100x64xf32, #tpu.memory_space<vmem>>
      %dma_start3A_77 = arith.constant 0 : i32
      %dma_start3A_78 = tpu.memref_slice %arg6[%rem3A_34, %dma_start3A_72, %dma_start3A_77] : memref<2x16x100xi32, #tpu.memory_space<vmem>> -> memref<1x1x100xi32, #tpu.memory_space<vmem>>
      %dma_start3A_79 = tpu.memref_squeeze %dma_start3A_78 : memref<1x1x100xi32, #tpu.memory_space<vmem>> -> memref<100xi32, #tpu.memory_space<vmem>>
      %dma_start3A_80 = arith.constant 0 : i32
      %dma_start3A_81 = arith.constant 0 : i32
      %dma_start3A_82 = tpu.memref_slice %arg4[%dma_start3A_80, %dma_start3A_81] : memref<3276800x64xf32, #tpu.memory_space<hbm>> -> memref<3276800x64xf32, #tpu.memory_space<hbm>>
      tpu.enqueue_indirect_dma source(%dma_start3A_76 : memref<100x64xf32, #tpu.memory_space<vmem>>) target(%dma_start3A_82 : memref<3276800x64xf32, #tpu.memory_space<hbm>>) offsets(%dma_start3A_79 : memref<100xi32, #tpu.memory_space<vmem>>) semaphore(%arg9 : memref<!tpu.dma_semaphore, #tpu.memory_space<semaphore_mem>>)
      %dma_start3A_83 = arith.constant 0 : i32
      %dma_start3A_84 = arith.constant 4 : i32
      %dma_start3A_85 = arith.constant 0 : i32
      %dma_start3A_86 = arith.constant 0 : i32
      %dma_start3A_87 = tpu.memref_slice %arg5[%dma_start3A_83, %dma_start3A_85, %dma_start3A_86] : memref<2x100x64xf32, #tpu.memory_space<vmem>> -> memref<1x100x64xf32, #tpu.memory_space<vmem>>
      %dma_start3A_88 = tpu.memref_squeeze %dma_start3A_87 : memref<1x100x64xf32, #tpu.memory_space<vmem>> -> memref<100x64xf32, #tpu.memory_space<vmem>>
      %dma_start3A_89 = arith.constant 0 : i32
      %dma_start3A_90 = tpu.memref_slice %arg6[%rem3A_34, %dma_start3A_84, %dma_start3A_89] : memref<2x16x100xi32, #tpu.memory_space<vmem>> -> memref<1x1x100xi32, #tpu.memory_space<vmem>>
      %dma_start3A_91 = tpu.memref_squeeze %dma_start3A_90 : memref<1x1x100xi32, #tpu.memory_space<vmem>> -> memref<100xi32, #tpu.memory_space<vmem>>
      %dma_start3A_92 = arith.constant 0 : i32
      %dma_start3A_93 = arith.constant 0 : i32
      %dma_start3A_94 = tpu.memref_slice %arg4[%dma_start3A_92, %dma_start3A_93] : memref<3276800x64xf32, #tpu.memory_space<hbm>> -> memref<3276800x64xf32, #tpu.memory_space<hbm>>
      tpu.enqueue_indirect_dma source(%dma_start3A_88 : memref<100x64xf32, #tpu.memory_space<vmem>>) target(%dma_start3A_94 : memref<3276800x64xf32, #tpu.memory_space<hbm>>) offsets(%dma_start3A_91 : memref<100xi32, #tpu.memory_space<vmem>>) semaphore(%arg9 : memref<!tpu.dma_semaphore, #tpu.memory_space<semaphore_mem>>)
      %dma_start3A_95 = arith.constant 1 : i32
      %dma_start3A_96 = arith.constant 5 : i32
      %dma_start3A_97 = arith.constant 0 : i32
      %dma_start3A_98 = arith.constant 0 : i32
      %dma_start3A_99 = tpu.memref_slice %arg5[%dma_start3A_95, %dma_start3A_97, %dma_start3A_98] : memref<2x100x64xf32, #tpu.memory_space<vmem>> -> memref<1x100x64xf32, #tpu.memory_space<vmem>>
      %dma_start3A_100 = tpu.memref_squeeze %dma_start3A_99 : memref<1x100x64xf32, #tpu.memory_space<vmem>> -> memref<100x64xf32, #tpu.memory_space<vmem>>
      %dma_start3A_101 = arith.constant 0 : i32
      %dma_start3A_102 = tpu.memref_slice %arg6[%rem3A_34, %dma_start3A_96, %dma_start3A_101] : memref<2x16x100xi32, #tpu.memory_space<vmem>> -> memref<1x1x100xi32, #tpu.memory_space<vmem>>
      %dma_start3A_103 = tpu.memref_squeeze %dma_start3A_102 : memref<1x1x100xi32, #tpu.memory_space<vmem>> -> memref<100xi32, #tpu.memory_space<vmem>>
      %dma_start3A_104 = arith.constant 0 : i32
      %dma_start3A_105 = arith.constant 0 : i32
      %dma_start3A_106 = tpu.memref_slice %arg4[%dma_start3A_104, %dma_start3A_105] : memref<3276800x64xf32, #tpu.memory_space<hbm>> -> memref<3276800x64xf32, #tpu.memory_space<hbm>>
      tpu.enqueue_indirect_dma source(%dma_start3A_100 : memref<100x64xf32, #tpu.memory_space<vmem>>) target(%dma_start3A_106 : memref<3276800x64xf32, #tpu.memory_space<hbm>>) offsets(%dma_start3A_103 : memref<100xi32, #tpu.memory_space<vmem>>) semaphore(%arg9 : memref<!tpu.dma_semaphore, #tpu.memory_space<semaphore_mem>>)
      %dma_start3A_107 = arith.constant 0 : i32
      %dma_start3A_108 = arith.constant 6 : i32
      %dma_start3A_109 = arith.constant 0 : i32
      %dma_start3A_110 = arith.constant 0 : i32
      %dma_start3A_111 = tpu.memref_slice %arg5[%dma_start3A_107, %dma_start3A_109, %dma_start3A_110] : memref<2x100x64xf32, #tpu.memory_space<vmem>> -> memref<1x100x64xf32, #tpu.memory_space<vmem>>
      %dma_start3A_112 = tpu.memref_squeeze %dma_start3A_111 : memref<1x100x64xf32, #tpu.memory_space<vmem>> -> memref<100x64xf32, #tpu.memory_space<vmem>>
      %dma_start3A_113 = arith.constant 0 : i32
      %dma_start3A_114 = tpu.memref_slice %arg6[%rem3A_34, %dma_start3A_108, %dma_start3A_113] : memref<2x16x100xi32, #tpu.memory_space<vmem>> -> memref<1x1x100xi32, #tpu.memory_space<vmem>>
      %dma_start3A_115 = tpu.memref_squeeze %dma_start3A_114 : memref<1x1x100xi32, #tpu.memory_space<vmem>> -> memref<100xi32, #tpu.memory_space<vmem>>
      %dma_start3A_116 = arith.constant 0 : i32
      %dma_start3A_117 = arith.constant 0 : i32
      %dma_start3A_118 = tpu.memref_slice %arg4[%dma_start3A_116, %dma_start3A_117] : memref<3276800x64xf32, #tpu.memory_space<hbm>> -> memref<3276800x64xf32, #tpu.memory_space<hbm>>
      tpu.enqueue_indirect_dma source(%dma_start3A_112 : memref<100x64xf32, #tpu.memory_space<vmem>>) target(%dma_start3A_118 : memref<3276800x64xf32, #tpu.memory_space<hbm>>) offsets(%dma_start3A_115 : memref<100xi32, #tpu.memory_space<vmem>>) semaphore(%arg9 : memref<!tpu.dma_semaphore, #tpu.memory_space<semaphore_mem>>)
      %dma_start3A_119 = arith.constant 1 : i32
      %dma_start3A_120 = arith.constant 7 : i32
      %dma_start3A_121 = arith.constant 0 : i32
      %dma_start3A_122 = arith.constant 0 : i32
      %dma_start3A_123 = tpu.memref_slice %arg5[%dma_start3A_119, %dma_start3A_121, %dma_start3A_122] : memref<2x100x64xf32, #tpu.memory_space<vmem>> -> memref<1x100x64xf32, #tpu.memory_space<vmem>>
      %dma_start3A_124 = tpu.memref_squeeze %dma_start3A_123 : memref<1x100x64xf32, #tpu.memory_space<vmem>> -> memref<100x64xf32, #tpu.memory_space<vmem>>
      %dma_start3A_125 = arith.constant 0 : i32
      %dma_start3A_126 = tpu.memref_slice %arg6[%rem3A_34, %dma_start3A_120, %dma_start3A_125] : memref<2x16x100xi32, #tpu.memory_space<vmem>> -> memref<1x1x100xi32, #tpu.memory_space<vmem>>
      %dma_start3A_127 = tpu.memref_squeeze %dma_start3A_126 : memref<1x1x100xi32, #tpu.memory_space<vmem>> -> memref<100xi32, #tpu.memory_space<vmem>>
      %dma_start3A_128 = arith.constant 0 : i32
      %dma_start3A_129 = arith.constant 0 : i32
      %dma_start3A_130 = tpu.memref_slice %arg4[%dma_start3A_128, %dma_start3A_129] : memref<3276800x64xf32, #tpu.memory_space<hbm>> -> memref<3276800x64xf32, #tpu.memory_space<hbm>>
      tpu.enqueue_indirect_dma source(%dma_start3A_124 : memref<100x64xf32, #tpu.memory_space<vmem>>) target(%dma_start3A_130 : memref<3276800x64xf32, #tpu.memory_space<hbm>>) offsets(%dma_start3A_127 : memref<100xi32, #tpu.memory_space<vmem>>) semaphore(%arg9 : memref<!tpu.dma_semaphore, #tpu.memory_space<semaphore_mem>>)
      %dma_start3A_131 = arith.constant 0 : i32
      %dma_start3A_132 = arith.constant 8 : i32
      %dma_start3A_133 = arith.constant 0 : i32
      %dma_start3A_134 = arith.constant 0 : i32
      %dma_start3A_135 = tpu.memref_slice %arg5[%dma_start3A_131, %dma_start3A_133, %dma_start3A_134] : memref<2x100x64xf32, #tpu.memory_space<vmem>> -> memref<1x100x64xf32, #tpu.memory_space<vmem>>
      %dma_start3A_136 = tpu.memref_squeeze %dma_start3A_135 : memref<1x100x64xf32, #tpu.memory_space<vmem>> -> memref<100x64xf32, #tpu.memory_space<vmem>>
      %dma_start3A_137 = arith.constant 0 : i32
      %dma_start3A_138 = tpu.memref_slice %arg6[%rem3A_34, %dma_start3A_132, %dma_start3A_137] : memref<2x16x100xi32, #tpu.memory_space<vmem>> -> memref<1x1x100xi32, #tpu.memory_space<vmem>>
      %dma_start3A_139 = tpu.memref_squeeze %dma_start3A_138 : memref<1x1x100xi32, #tpu.memory_space<vmem>> -> memref<100xi32, #tpu.memory_space<vmem>>
      %dma_start3A_140 = arith.constant 0 : i32
      %dma_start3A_141 = arith.constant 0 : i32
      %dma_start3A_142 = tpu.memref_slice %arg4[%dma_start3A_140, %dma_start3A_141] : memref<3276800x64xf32, #tpu.memory_space<hbm>> -> memref<3276800x64xf32, #tpu.memory_space<hbm>>
      tpu.enqueue_indirect_dma source(%dma_start3A_136 : memref<100x64xf32, #tpu.memory_space<vmem>>) target(%dma_start3A_142 : memref<3276800x64xf32, #tpu.memory_space<hbm>>) offsets(%dma_start3A_139 : memref<100xi32, #tpu.memory_space<vmem>>) semaphore(%arg9 : memref<!tpu.dma_semaphore, #tpu.memory_space<semaphore_mem>>)
      %dma_start3A_143 = arith.constant 1 : i32
      %dma_start3A_144 = arith.constant 9 : i32
      %dma_start3A_145 = arith.constant 0 : i32
      %dma_start3A_146 = arith.constant 0 : i32
      %dma_start3A_147 = tpu.memref_slice %arg5[%dma_start3A_143, %dma_start3A_145, %dma_start3A_146] : memref<2x100x64xf32, #tpu.memory_space<vmem>> -> memref<1x100x64xf32, #tpu.memory_space<vmem>>
      %dma_start3A_148 = tpu.memref_squeeze %dma_start3A_147 : memref<1x100x64xf32, #tpu.memory_space<vmem>> -> memref<100x64xf32, #tpu.memory_space<vmem>>
      %dma_start3A_149 = arith.constant 0 : i32
      %dma_start3A_150 = tpu.memref_slice %arg6[%rem3A_34, %dma_start3A_144, %dma_start3A_149] : memref<2x16x100xi32, #tpu.memory_space<vmem>> -> memref<1x1x100xi32, #tpu.memory_space<vmem>>
      %dma_start3A_151 = tpu.memref_squeeze %dma_start3A_150 : memref<1x1x100xi32, #tpu.memory_space<vmem>> -> memref<100xi32, #tpu.memory_space<vmem>>
      %dma_start3A_152 = arith.constant 0 : i32
      %dma_start3A_153 = arith.constant 0 : i32
      %dma_start3A_154 = tpu.memref_slice %arg4[%dma_start3A_152, %dma_start3A_153] : memref<3276800x64xf32, #tpu.memory_space<hbm>> -> memref<3276800x64xf32, #tpu.memory_space<hbm>>
      tpu.enqueue_indirect_dma source(%dma_start3A_148 : memref<100x64xf32, #tpu.memory_space<vmem>>) target(%dma_start3A_154 : memref<3276800x64xf32, #tpu.memory_space<hbm>>) offsets(%dma_start3A_151 : memref<100xi32, #tpu.memory_space<vmem>>) semaphore(%arg9 : memref<!tpu.dma_semaphore, #tpu.memory_space<semaphore_mem>>)
      %dma_start3A_155 = arith.constant 0 : i32
      %dma_start3A_156 = arith.constant 10 : i32
      %dma_start3A_157 = arith.constant 0 : i32
      %dma_start3A_158 = arith.constant 0 : i32
      %dma_start3A_159 = tpu.memref_slice %arg5[%dma_start3A_155, %dma_start3A_157, %dma_start3A_158] : memref<2x100x64xf32, #tpu.memory_space<vmem>> -> memref<1x100x64xf32, #tpu.memory_space<vmem>>
      %dma_start3A_160 = tpu.memref_squeeze %dma_start3A_159 : memref<1x100x64xf32, #tpu.memory_space<vmem>> -> memref<100x64xf32, #tpu.memory_space<vmem>>
      %dma_start3A_161 = arith.constant 0 : i32
      %dma_start3A_162 = tpu.memref_slice %arg6[%rem3A_34, %dma_start3A_156, %dma_start3A_161] : memref<2x16x100xi32, #tpu.memory_space<vmem>> -> memref<1x1x100xi32, #tpu.memory_space<vmem>>
      %dma_start3A_163 = tpu.memref_squeeze %dma_start3A_162 : memref<1x1x100xi32, #tpu.memory_space<vmem>> -> memref<100xi32, #tpu.memory_space<vmem>>
      %dma_start3A_164 = arith.constant 0 : i32
      %dma_start3A_165 = arith.constant 0 : i32
      %dma_start3A_166 = tpu.memref_slice %arg4[%dma_start3A_164, %dma_start3A_165] : memref<3276800x64xf32, #tpu.memory_space<hbm>> -> memref<3276800x64xf32, #tpu.memory_space<hbm>>
      tpu.enqueue_indirect_dma source(%dma_start3A_160 : memref<100x64xf32, #tpu.memory_space<vmem>>) target(%dma_start3A_166 : memref<3276800x64xf32, #tpu.memory_space<hbm>>) offsets(%dma_start3A_163 : memref<100xi32, #tpu.memory_space<vmem>>) semaphore(%arg9 : memref<!tpu.dma_semaphore, #tpu.memory_space<semaphore_mem>>)
      %dma_start3A_167 = arith.constant 1 : i32
      %dma_start3A_168 = arith.constant 11 : i32
      %dma_start3A_169 = arith.constant 0 : i32
      %dma_start3A_170 = arith.constant 0 : i32
      %dma_start3A_171 = tpu.memref_slice %arg5[%dma_start3A_167, %dma_start3A_169, %dma_start3A_170] : memref<2x100x64xf32, #tpu.memory_space<vmem>> -> memref<1x100x64xf32, #tpu.memory_space<vmem>>
      %dma_start3A_172 = tpu.memref_squeeze %dma_start3A_171 : memref<1x100x64xf32, #tpu.memory_space<vmem>> -> memref<100x64xf32, #tpu.memory_space<vmem>>
      %dma_start3A_173 = arith.constant 0 : i32
      %dma_start3A_174 = tpu.memref_slice %arg6[%rem3A_34, %dma_start3A_168, %dma_start3A_173] : memref<2x16x100xi32, #tpu.memory_space<vmem>> -> memref<1x1x100xi32, #tpu.memory_space<vmem>>
      %dma_start3A_175 = tpu.memref_squeeze %dma_start3A_174 : memref<1x1x100xi32, #tpu.memory_space<vmem>> -> memref<100xi32, #tpu.memory_space<vmem>>
      %dma_start3A_176 = arith.constant 0 : i32
      %dma_start3A_177 = arith.constant 0 : i32
      %dma_start3A_178 = tpu.memref_slice %arg4[%dma_start3A_176, %dma_start3A_177] : memref<3276800x64xf32, #tpu.memory_space<hbm>> -> memref<3276800x64xf32, #tpu.memory_space<hbm>>
      tpu.enqueue_indirect_dma source(%dma_start3A_172 : memref<100x64xf32, #tpu.memory_space<vmem>>) target(%dma_start3A_178 : memref<3276800x64xf32, #tpu.memory_space<hbm>>) offsets(%dma_start3A_175 : memref<100xi32, #tpu.memory_space<vmem>>) semaphore(%arg9 : memref<!tpu.dma_semaphore, #tpu.memory_space<semaphore_mem>>)
      %dma_start3A_179 = arith.constant 0 : i32
      %dma_start3A_180 = arith.constant 12 : i32
      %dma_start3A_181 = arith.constant 0 : i32
      %dma_start3A_182 = arith.constant 0 : i32
      %dma_start3A_183 = tpu.memref_slice %arg5[%dma_start3A_179, %dma_start3A_181, %dma_start3A_182] : memref<2x100x64xf32, #tpu.memory_space<vmem>> -> memref<1x100x64xf32, #tpu.memory_space<vmem>>
      %dma_start3A_184 = tpu.memref_squeeze %dma_start3A_183 : memref<1x100x64xf32, #tpu.memory_space<vmem>> -> memref<100x64xf32, #tpu.memory_space<vmem>>
      %dma_start3A_185 = arith.constant 0 : i32
      %dma_start3A_186 = tpu.memref_slice %arg6[%rem3A_34, %dma_start3A_180, %dma_start3A_185] : memref<2x16x100xi32, #tpu.memory_space<vmem>> -> memref<1x1x100xi32, #tpu.memory_space<vmem>>
      %dma_start3A_187 = tpu.memref_squeeze %dma_start3A_186 : memref<1x1x100xi32, #tpu.memory_space<vmem>> -> memref<100xi32, #tpu.memory_space<vmem>>
      %dma_start3A_188 = arith.constant 0 : i32
      %dma_start3A_189 = arith.constant 0 : i32
      %dma_start3A_190 = tpu.memref_slice %arg4[%dma_start3A_188, %dma_start3A_189] : memref<3276800x64xf32, #tpu.memory_space<hbm>> -> memref<3276800x64xf32, #tpu.memory_space<hbm>>
      tpu.enqueue_indirect_dma source(%dma_start3A_184 : memref<100x64xf32, #tpu.memory_space<vmem>>) target(%dma_start3A_190 : memref<3276800x64xf32, #tpu.memory_space<hbm>>) offsets(%dma_start3A_187 : memref<100xi32, #tpu.memory_space<vmem>>) semaphore(%arg9 : memref<!tpu.dma_semaphore, #tpu.memory_space<semaphore_mem>>)
      %dma_start3A_191 = arith.constant 1 : i32
      %dma_start3A_192 = arith.constant 13 : i32
      %dma_start3A_193 = arith.constant 0 : i32
      %dma_start3A_194 = arith.constant 0 : i32
      %dma_start3A_195 = tpu.memref_slice %arg5[%dma_start3A_191, %dma_start3A_193, %dma_start3A_194] : memref<2x100x64xf32, #tpu.memory_space<vmem>> -> memref<1x100x64xf32, #tpu.memory_space<vmem>>
      %dma_start3A_196 = tpu.memref_squeeze %dma_start3A_195 : memref<1x100x64xf32, #tpu.memory_space<vmem>> -> memref<100x64xf32, #tpu.memory_space<vmem>>
      %dma_start3A_197 = arith.constant 0 : i32
      %dma_start3A_198 = tpu.memref_slice %arg6[%rem3A_34, %dma_start3A_192, %dma_start3A_197] : memref<2x16x100xi32, #tpu.memory_space<vmem>> -> memref<1x1x100xi32, #tpu.memory_space<vmem>>
      %dma_start3A_199 = tpu.memref_squeeze %dma_start3A_198 : memref<1x1x100xi32, #tpu.memory_space<vmem>> -> memref<100xi32, #tpu.memory_space<vmem>>
      %dma_start3A_200 = arith.constant 0 : i32
      %dma_start3A_201 = arith.constant 0 : i32
      %dma_start3A_202 = tpu.memref_slice %arg4[%dma_start3A_200, %dma_start3A_201] : memref<3276800x64xf32, #tpu.memory_space<hbm>> -> memref<3276800x64xf32, #tpu.memory_space<hbm>>
      tpu.enqueue_indirect_dma source(%dma_start3A_196 : memref<100x64xf32, #tpu.memory_space<vmem>>) target(%dma_start3A_202 : memref<3276800x64xf32, #tpu.memory_space<hbm>>) offsets(%dma_start3A_199 : memref<100xi32, #tpu.memory_space<vmem>>) semaphore(%arg9 : memref<!tpu.dma_semaphore, #tpu.memory_space<semaphore_mem>>)
      %dma_start3A_203 = arith.constant 0 : i32
      %dma_start3A_204 = arith.constant 14 : i32
      %dma_start3A_205 = arith.constant 0 : i32
      %dma_start3A_206 = arith.constant 0 : i32
      %dma_start3A_207 = tpu.memref_slice %arg5[%dma_start3A_203, %dma_start3A_205, %dma_start3A_206] : memref<2x100x64xf32, #tpu.memory_space<vmem>> -> memref<1x100x64xf32, #tpu.memory_space<vmem>>
      %dma_start3A_208 = tpu.memref_squeeze %dma_start3A_207 : memref<1x100x64xf32, #tpu.memory_space<vmem>> -> memref<100x64xf32, #tpu.memory_space<vmem>>
      %dma_start3A_209 = arith.constant 0 : i32
      %dma_start3A_210 = tpu.memref_slice %arg6[%rem3A_34, %dma_start3A_204, %dma_start3A_209] : memref<2x16x100xi32, #tpu.memory_space<vmem>> -> memref<1x1x100xi32, #tpu.memory_space<vmem>>
      %dma_start3A_211 = tpu.memref_squeeze %dma_start3A_210 : memref<1x1x100xi32, #tpu.memory_space<vmem>> -> memref<100xi32, #tpu.memory_space<vmem>>
      %dma_start3A_212 = arith.constant 0 : i32
      %dma_start3A_213 = arith.constant 0 : i32
      %dma_start3A_214 = tpu.memref_slice %arg4[%dma_start3A_212, %dma_start3A_213] : memref<3276800x64xf32, #tpu.memory_space<hbm>> -> memref<3276800x64xf32, #tpu.memory_space<hbm>>
      tpu.enqueue_indirect_dma source(%dma_start3A_208 : memref<100x64xf32, #tpu.memory_space<vmem>>) target(%dma_start3A_214 : memref<3276800x64xf32, #tpu.memory_space<hbm>>) offsets(%dma_start3A_211 : memref<100xi32, #tpu.memory_space<vmem>>) semaphore(%arg9 : memref<!tpu.dma_semaphore, #tpu.memory_space<semaphore_mem>>)
      %dma_start3A_215 = arith.constant 1 : i32
      %dma_start3A_216 = arith.constant 15 : i32
      %dma_start3A_217 = arith.constant 0 : i32
      %dma_start3A_218 = arith.constant 0 : i32
      %dma_start3A_219 = tpu.memref_slice %arg5[%dma_start3A_215, %dma_start3A_217, %dma_start3A_218] : memref<2x100x64xf32, #tpu.memory_space<vmem>> -> memref<1x100x64xf32, #tpu.memory_space<vmem>>
      %dma_start3A_220 = tpu.memref_squeeze %dma_start3A_219 : memref<1x100x64xf32, #tpu.memory_space<vmem>> -> memref<100x64xf32, #tpu.memory_space<vmem>>
      %dma_start3A_221 = arith.constant 0 : i32
      %dma_start3A_222 = tpu.memref_slice %arg6[%rem3A_34, %dma_start3A_216, %dma_start3A_221] : memref<2x16x100xi32, #tpu.memory_space<vmem>> -> memref<1x1x100xi32, #tpu.memory_space<vmem>>
      %dma_start3A_223 = tpu.memref_squeeze %dma_start3A_222 : memref<1x1x100xi32, #tpu.memory_space<vmem>> -> memref<100xi32, #tpu.memory_space<vmem>>
      %dma_start3A_224 = arith.constant 0 : i32
      %dma_start3A_225 = arith.constant 0 : i32
      %dma_start3A_226 = tpu.memref_slice %arg4[%dma_start3A_224, %dma_start3A_225] : memref<3276800x64xf32, #tpu.memory_space<hbm>> -> memref<3276800x64xf32, #tpu.memory_space<hbm>>
      tpu.enqueue_indirect_dma source(%dma_start3A_220 : memref<100x64xf32, #tpu.memory_space<vmem>>) target(%dma_start3A_226 : memref<3276800x64xf32, #tpu.memory_space<hbm>>) offsets(%dma_start3A_223 : memref<100xi32, #tpu.memory_space<vmem>>) semaphore(%arg9 : memref<!tpu.dma_semaphore, #tpu.memory_space<semaphore_mem>>)
      %add3A_227 = arith.constant 1 : i32
      %add3A_228 = arith.addi %scan3A_33, %add3A_227 : i32
      %lt3A = arith.constant 64 : i32
      %lt3A_229 = arith.cmpi slt, %add3A_228, %lt3A : i32
      %convert_element_type3A = arith.extui %lt3A_229 : i1 to i32
      %cond3A = arith.constant 0 : i32
      %cond3A_230 = arith.cmpi ne, %convert_element_type3A, %cond3A : i32
      scf.if %cond3A_230 {
        %add3A_423 = arith.constant 1 : i32
        %add3A_424 = arith.addi %scan3A_33, %add3A_423 : i32
        %mul3A_425 = arith.constant 2 : i32
        %mul3A_426 = arith.muli %add3A_424, %mul3A_425 : i32
        %mul3A_427 = arith.constant 8 : i32
        %mul3A_428 = arith.muli %mul3A_426, %mul3A_427 : i32
        %add3A_429 = arith.addi %mul3A_4, %mul3A_428 : i32
        %sub3A = arith.constant 1 : i32
        %sub3A_430 = arith.subi %sub3A, %rem3A_34 : i32
        %dma_start3A_431 = arith.constant 0 : i32
        %dma_start3A_432 = arith.constant 0 : i32
        %dma_start3A_433 = tpu.memref_slice %arg6[%sub3A_430, %dma_start3A_431, %dma_start3A_432] : memref<2x16x100xi32, #tpu.memory_space<vmem>> -> memref<1x16x100xi32, #tpu.memory_space<vmem>>
        %dma_start3A_434 = tpu.memref_squeeze %dma_start3A_433 : memref<1x16x100xi32, #tpu.memory_space<vmem>> -> memref<16x100xi32, #tpu.memory_space<vmem>>
        %dma_start3A_435 = arith.constant 0 : i32
        %dma_start3A_436 = tpu.memref_slice %arg2[%add3A_429, %dma_start3A_435] : memref<32768x100xi32, #tpu.memory_space<hbm>> -> memref<16x100xi32, #tpu.memory_space<hbm>>
        %dma_start3A_437 = arith.constant 0 : i32
        %dma_start3A_438 = arith.constant 0 : i32
        %dma_start3A_439 = tpu.memref_slice %arg6[%sub3A_430, %dma_start3A_437, %dma_start3A_438] : memref<2x16x100xi32, #tpu.memory_space<vmem>> -> memref<1x16x100xi32, #tpu.memory_space<vmem>>
        %dma_start3A_440 = tpu.memref_squeeze %dma_start3A_439 : memref<1x16x100xi32, #tpu.memory_space<vmem>> -> memref<16x100xi32, #tpu.memory_space<vmem>>
        %dma_start3A_441 = arith.constant 0 : i32
        %dma_start3A_442 = tpu.memref_slice %arg2[%add3A_429, %dma_start3A_441] : memref<32768x100xi32, #tpu.memory_space<hbm>> -> memref<16x100xi32, #tpu.memory_space<hbm>>
        tpu.enqueue_dma source(%dma_start3A_442 : memref<16x100xi32, #tpu.memory_space<hbm>>) target(%dma_start3A_440 : memref<16x100xi32, #tpu.memory_space<vmem>>) target_semaphore(%arg8 : memref<!tpu.dma_semaphore, #tpu.memory_space<semaphore_mem>>)
        %dma_wait3A_443 = arith.constant 0 : i32
        %dma_wait3A_444 = arith.constant 0 : i32
        %dma_wait3A_445 = tpu.memref_slice %arg6[%sub3A_430, %dma_wait3A_443, %dma_wait3A_444] : memref<2x16x100xi32, #tpu.memory_space<vmem>> -> memref<1x16x100xi32, #tpu.memory_space<vmem>>
        %dma_wait3A_446 = tpu.memref_squeeze %dma_wait3A_445 : memref<1x16x100xi32, #tpu.memory_space<vmem>> -> memref<16x100xi32, #tpu.memory_space<vmem>>
        %dma_wait3A_447 = arith.constant 0 : i32
        %dma_wait3A_448 = tpu.memref_slice %arg2[%add3A_429, %dma_wait3A_447] : memref<32768x100xi32, #tpu.memory_space<hbm>> -> memref<16x100xi32, #tpu.memory_space<hbm>>
        %dma_wait3A_449 = arith.constant 0 : i32
        %dma_wait3A_450 = arith.constant 0 : i32
        %dma_wait3A_451 = tpu.memref_slice %arg6[%sub3A_430, %dma_wait3A_449, %dma_wait3A_450] : memref<2x16x100xi32, #tpu.memory_space<vmem>> -> memref<1x16x100xi32, #tpu.memory_space<vmem>>
        %dma_wait3A_452 = tpu.memref_squeeze %dma_wait3A_451 : memref<1x16x100xi32, #tpu.memory_space<vmem>> -> memref<16x100xi32, #tpu.memory_space<vmem>>
        %dma_wait3A_453 = arith.constant 0 : i32
        %dma_wait3A_454 = tpu.memref_slice %arg2[%add3A_429, %dma_wait3A_453] : memref<32768x100xi32, #tpu.memory_space<hbm>> -> memref<16x100xi32, #tpu.memory_space<hbm>>
        tpu.wait_dma2 semaphore(%arg8 : memref<!tpu.dma_semaphore, #tpu.memory_space<semaphore_mem>>) src(%dma_wait3A_454 : memref<16x100xi32, #tpu.memory_space<hbm>>) dst(%dma_wait3A_452 : memref<16x100xi32, #tpu.memory_space<vmem>>)
      } else {
      }
      %dma_wait3A_231 = arith.constant 0 : i32
      %dma_wait3A_232 = arith.constant 0 : i32
      %dma_wait3A_233 = arith.constant 0 : i32
      %dma_wait3A_234 = arith.constant 0 : i32
      %dma_wait3A_235 = tpu.memref_slice %arg5[%dma_wait3A_231, %dma_wait3A_233, %dma_wait3A_234] : memref<2x100x64xf32, #tpu.memory_space<vmem>> -> memref<1x100x64xf32, #tpu.memory_space<vmem>>
      %dma_wait3A_236 = tpu.memref_squeeze %dma_wait3A_235 : memref<1x100x64xf32, #tpu.memory_space<vmem>> -> memref<100x64xf32, #tpu.memory_space<vmem>>
      %dma_wait3A_237 = arith.constant 0 : i32
      %dma_wait3A_238 = tpu.memref_slice %arg6[%rem3A_34, %dma_wait3A_232, %dma_wait3A_237] : memref<2x16x100xi32, #tpu.memory_space<vmem>> -> memref<1x1x100xi32, #tpu.memory_space<vmem>>
      %dma_wait3A_239 = tpu.memref_squeeze %dma_wait3A_238 : memref<1x1x100xi32, #tpu.memory_space<vmem>> -> memref<100xi32, #tpu.memory_space<vmem>>
      %dma_wait3A_240 = arith.constant 0 : i32
      %dma_wait3A_241 = arith.constant 0 : i32
      %dma_wait3A_242 = tpu.memref_slice %arg4[%dma_wait3A_240, %dma_wait3A_241] : memref<3276800x64xf32, #tpu.memory_space<hbm>> -> memref<3276800x64xf32, #tpu.memory_space<hbm>>
      tpu.wait_indirect_dma semaphore(%arg9 : memref<!tpu.dma_semaphore, #tpu.memory_space<semaphore_mem>>) src(%dma_wait3A_236 : memref<100x64xf32, #tpu.memory_space<vmem>>) dst(%dma_wait3A_242 : memref<3276800x64xf32, #tpu.memory_space<hbm>>)
      %dma_wait3A_243 = arith.constant 1 : i32
      %dma_wait3A_244 = arith.constant 1 : i32
      %dma_wait3A_245 = arith.constant 0 : i32
      %dma_wait3A_246 = arith.constant 0 : i32
      %dma_wait3A_247 = tpu.memref_slice %arg5[%dma_wait3A_243, %dma_wait3A_245, %dma_wait3A_246] : memref<2x100x64xf32, #tpu.memory_space<vmem>> -> memref<1x100x64xf32, #tpu.memory_space<vmem>>
      %dma_wait3A_248 = tpu.memref_squeeze %dma_wait3A_247 : memref<1x100x64xf32, #tpu.memory_space<vmem>> -> memref<100x64xf32, #tpu.memory_space<vmem>>
      %dma_wait3A_249 = arith.constant 0 : i32
      %dma_wait3A_250 = tpu.memref_slice %arg6[%rem3A_34, %dma_wait3A_244, %dma_wait3A_249] : memref<2x16x100xi32, #tpu.memory_space<vmem>> -> memref<1x1x100xi32, #tpu.memory_space<vmem>>
      %dma_wait3A_251 = tpu.memref_squeeze %dma_wait3A_250 : memref<1x1x100xi32, #tpu.memory_space<vmem>> -> memref<100xi32, #tpu.memory_space<vmem>>
      %dma_wait3A_252 = arith.constant 0 : i32
      %dma_wait3A_253 = arith.constant 0 : i32
      %dma_wait3A_254 = tpu.memref_slice %arg4[%dma_wait3A_252, %dma_wait3A_253] : memref<3276800x64xf32, #tpu.memory_space<hbm>> -> memref<3276800x64xf32, #tpu.memory_space<hbm>>
      tpu.wait_indirect_dma semaphore(%arg9 : memref<!tpu.dma_semaphore, #tpu.memory_space<semaphore_mem>>) src(%dma_wait3A_248 : memref<100x64xf32, #tpu.memory_space<vmem>>) dst(%dma_wait3A_254 : memref<3276800x64xf32, #tpu.memory_space<hbm>>)
      %dma_wait3A_255 = arith.constant 0 : i32
      %dma_wait3A_256 = arith.constant 2 : i32
      %dma_wait3A_257 = arith.constant 0 : i32
      %dma_wait3A_258 = arith.constant 0 : i32
      %dma_wait3A_259 = tpu.memref_slice %arg5[%dma_wait3A_255, %dma_wait3A_257, %dma_wait3A_258] : memref<2x100x64xf32, #tpu.memory_space<vmem>> -> memref<1x100x64xf32, #tpu.memory_space<vmem>>
      %dma_wait3A_260 = tpu.memref_squeeze %dma_wait3A_259 : memref<1x100x64xf32, #tpu.memory_space<vmem>> -> memref<100x64xf32, #tpu.memory_space<vmem>>
      %dma_wait3A_261 = arith.constant 0 : i32
      %dma_wait3A_262 = tpu.memref_slice %arg6[%rem3A_34, %dma_wait3A_256, %dma_wait3A_261] : memref<2x16x100xi32, #tpu.memory_space<vmem>> -> memref<1x1x100xi32, #tpu.memory_space<vmem>>
      %dma_wait3A_263 = tpu.memref_squeeze %dma_wait3A_262 : memref<1x1x100xi32, #tpu.memory_space<vmem>> -> memref<100xi32, #tpu.memory_space<vmem>>
      %dma_wait3A_264 = arith.constant 0 : i32
      %dma_wait3A_265 = arith.constant 0 : i32
      %dma_wait3A_266 = tpu.memref_slice %arg4[%dma_wait3A_264, %dma_wait3A_265] : memref<3276800x64xf32, #tpu.memory_space<hbm>> -> memref<3276800x64xf32, #tpu.memory_space<hbm>>
      tpu.wait_indirect_dma semaphore(%arg9 : memref<!tpu.dma_semaphore, #tpu.memory_space<semaphore_mem>>) src(%dma_wait3A_260 : memref<100x64xf32, #tpu.memory_space<vmem>>) dst(%dma_wait3A_266 : memref<3276800x64xf32, #tpu.memory_space<hbm>>)
      %dma_wait3A_267 = arith.constant 1 : i32
      %dma_wait3A_268 = arith.constant 3 : i32
      %dma_wait3A_269 = arith.constant 0 : i32
      %dma_wait3A_270 = arith.constant 0 : i32
      %dma_wait3A_271 = tpu.memref_slice %arg5[%dma_wait3A_267, %dma_wait3A_269, %dma_wait3A_270] : memref<2x100x64xf32, #tpu.memory_space<vmem>> -> memref<1x100x64xf32, #tpu.memory_space<vmem>>
      %dma_wait3A_272 = tpu.memref_squeeze %dma_wait3A_271 : memref<1x100x64xf32, #tpu.memory_space<vmem>> -> memref<100x64xf32, #tpu.memory_space<vmem>>
      %dma_wait3A_273 = arith.constant 0 : i32
      %dma_wait3A_274 = tpu.memref_slice %arg6[%rem3A_34, %dma_wait3A_268, %dma_wait3A_273] : memref<2x16x100xi32, #tpu.memory_space<vmem>> -> memref<1x1x100xi32, #tpu.memory_space<vmem>>
      %dma_wait3A_275 = tpu.memref_squeeze %dma_wait3A_274 : memref<1x1x100xi32, #tpu.memory_space<vmem>> -> memref<100xi32, #tpu.memory_space<vmem>>
      %dma_wait3A_276 = arith.constant 0 : i32
      %dma_wait3A_277 = arith.constant 0 : i32
      %dma_wait3A_278 = tpu.memref_slice %arg4[%dma_wait3A_276, %dma_wait3A_277] : memref<3276800x64xf32, #tpu.memory_space<hbm>> -> memref<3276800x64xf32, #tpu.memory_space<hbm>>
      tpu.wait_indirect_dma semaphore(%arg9 : memref<!tpu.dma_semaphore, #tpu.memory_space<semaphore_mem>>) src(%dma_wait3A_272 : memref<100x64xf32, #tpu.memory_space<vmem>>) dst(%dma_wait3A_278 : memref<3276800x64xf32, #tpu.memory_space<hbm>>)
      %dma_wait3A_279 = arith.constant 0 : i32
      %dma_wait3A_280 = arith.constant 4 : i32
      %dma_wait3A_281 = arith.constant 0 : i32
      %dma_wait3A_282 = arith.constant 0 : i32
      %dma_wait3A_283 = tpu.memref_slice %arg5[%dma_wait3A_279, %dma_wait3A_281, %dma_wait3A_282] : memref<2x100x64xf32, #tpu.memory_space<vmem>> -> memref<1x100x64xf32, #tpu.memory_space<vmem>>
      %dma_wait3A_284 = tpu.memref_squeeze %dma_wait3A_283 : memref<1x100x64xf32, #tpu.memory_space<vmem>> -> memref<100x64xf32, #tpu.memory_space<vmem>>
      %dma_wait3A_285 = arith.constant 0 : i32
      %dma_wait3A_286 = tpu.memref_slice %arg6[%rem3A_34, %dma_wait3A_280, %dma_wait3A_285] : memref<2x16x100xi32, #tpu.memory_space<vmem>> -> memref<1x1x100xi32, #tpu.memory_space<vmem>>
      %dma_wait3A_287 = tpu.memref_squeeze %dma_wait3A_286 : memref<1x1x100xi32, #tpu.memory_space<vmem>> -> memref<100xi32, #tpu.memory_space<vmem>>
      %dma_wait3A_288 = arith.constant 0 : i32
      %dma_wait3A_289 = arith.constant 0 : i32
      %dma_wait3A_290 = tpu.memref_slice %arg4[%dma_wait3A_288, %dma_wait3A_289] : memref<3276800x64xf32, #tpu.memory_space<hbm>> -> memref<3276800x64xf32, #tpu.memory_space<hbm>>
      tpu.wait_indirect_dma semaphore(%arg9 : memref<!tpu.dma_semaphore, #tpu.memory_space<semaphore_mem>>) src(%dma_wait3A_284 : memref<100x64xf32, #tpu.memory_space<vmem>>) dst(%dma_wait3A_290 : memref<3276800x64xf32, #tpu.memory_space<hbm>>)
      %dma_wait3A_291 = arith.constant 1 : i32
      %dma_wait3A_292 = arith.constant 5 : i32
      %dma_wait3A_293 = arith.constant 0 : i32
      %dma_wait3A_294 = arith.constant 0 : i32
      %dma_wait3A_295 = tpu.memref_slice %arg5[%dma_wait3A_291, %dma_wait3A_293, %dma_wait3A_294] : memref<2x100x64xf32, #tpu.memory_space<vmem>> -> memref<1x100x64xf32, #tpu.memory_space<vmem>>
      %dma_wait3A_296 = tpu.memref_squeeze %dma_wait3A_295 : memref<1x100x64xf32, #tpu.memory_space<vmem>> -> memref<100x64xf32, #tpu.memory_space<vmem>>
      %dma_wait3A_297 = arith.constant 0 : i32
      %dma_wait3A_298 = tpu.memref_slice %arg6[%rem3A_34, %dma_wait3A_292, %dma_wait3A_297] : memref<2x16x100xi32, #tpu.memory_space<vmem>> -> memref<1x1x100xi32, #tpu.memory_space<vmem>>
      %dma_wait3A_299 = tpu.memref_squeeze %dma_wait3A_298 : memref<1x1x100xi32, #tpu.memory_space<vmem>> -> memref<100xi32, #tpu.memory_space<vmem>>
      %dma_wait3A_300 = arith.constant 0 : i32
      %dma_wait3A_301 = arith.constant 0 : i32
      %dma_wait3A_302 = tpu.memref_slice %arg4[%dma_wait3A_300, %dma_wait3A_301] : memref<3276800x64xf32, #tpu.memory_space<hbm>> -> memref<3276800x64xf32, #tpu.memory_space<hbm>>
      tpu.wait_indirect_dma semaphore(%arg9 : memref<!tpu.dma_semaphore, #tpu.memory_space<semaphore_mem>>) src(%dma_wait3A_296 : memref<100x64xf32, #tpu.memory_space<vmem>>) dst(%dma_wait3A_302 : memref<3276800x64xf32, #tpu.memory_space<hbm>>)
      %dma_wait3A_303 = arith.constant 0 : i32
      %dma_wait3A_304 = arith.constant 6 : i32
      %dma_wait3A_305 = arith.constant 0 : i32
      %dma_wait3A_306 = arith.constant 0 : i32
      %dma_wait3A_307 = tpu.memref_slice %arg5[%dma_wait3A_303, %dma_wait3A_305, %dma_wait3A_306] : memref<2x100x64xf32, #tpu.memory_space<vmem>> -> memref<1x100x64xf32, #tpu.memory_space<vmem>>
      %dma_wait3A_308 = tpu.memref_squeeze %dma_wait3A_307 : memref<1x100x64xf32, #tpu.memory_space<vmem>> -> memref<100x64xf32, #tpu.memory_space<vmem>>
      %dma_wait3A_309 = arith.constant 0 : i32
      %dma_wait3A_310 = tpu.memref_slice %arg6[%rem3A_34, %dma_wait3A_304, %dma_wait3A_309] : memref<2x16x100xi32, #tpu.memory_space<vmem>> -> memref<1x1x100xi32, #tpu.memory_space<vmem>>
      %dma_wait3A_311 = tpu.memref_squeeze %dma_wait3A_310 : memref<1x1x100xi32, #tpu.memory_space<vmem>> -> memref<100xi32, #tpu.memory_space<vmem>>
      %dma_wait3A_312 = arith.constant 0 : i32
      %dma_wait3A_313 = arith.constant 0 : i32
      %dma_wait3A_314 = tpu.memref_slice %arg4[%dma_wait3A_312, %dma_wait3A_313] : memref<3276800x64xf32, #tpu.memory_space<hbm>> -> memref<3276800x64xf32, #tpu.memory_space<hbm>>
      tpu.wait_indirect_dma semaphore(%arg9 : memref<!tpu.dma_semaphore, #tpu.memory_space<semaphore_mem>>) src(%dma_wait3A_308 : memref<100x64xf32, #tpu.memory_space<vmem>>) dst(%dma_wait3A_314 : memref<3276800x64xf32, #tpu.memory_space<hbm>>)
      %dma_wait3A_315 = arith.constant 1 : i32
      %dma_wait3A_316 = arith.constant 7 : i32
      %dma_wait3A_317 = arith.constant 0 : i32
      %dma_wait3A_318 = arith.constant 0 : i32
      %dma_wait3A_319 = tpu.memref_slice %arg5[%dma_wait3A_315, %dma_wait3A_317, %dma_wait3A_318] : memref<2x100x64xf32, #tpu.memory_space<vmem>> -> memref<1x100x64xf32, #tpu.memory_space<vmem>>
      %dma_wait3A_320 = tpu.memref_squeeze %dma_wait3A_319 : memref<1x100x64xf32, #tpu.memory_space<vmem>> -> memref<100x64xf32, #tpu.memory_space<vmem>>
      %dma_wait3A_321 = arith.constant 0 : i32
      %dma_wait3A_322 = tpu.memref_slice %arg6[%rem3A_34, %dma_wait3A_316, %dma_wait3A_321] : memref<2x16x100xi32, #tpu.memory_space<vmem>> -> memref<1x1x100xi32, #tpu.memory_space<vmem>>
      %dma_wait3A_323 = tpu.memref_squeeze %dma_wait3A_322 : memref<1x1x100xi32, #tpu.memory_space<vmem>> -> memref<100xi32, #tpu.memory_space<vmem>>
      %dma_wait3A_324 = arith.constant 0 : i32
      %dma_wait3A_325 = arith.constant 0 : i32
      %dma_wait3A_326 = tpu.memref_slice %arg4[%dma_wait3A_324, %dma_wait3A_325] : memref<3276800x64xf32, #tpu.memory_space<hbm>> -> memref<3276800x64xf32, #tpu.memory_space<hbm>>
      tpu.wait_indirect_dma semaphore(%arg9 : memref<!tpu.dma_semaphore, #tpu.memory_space<semaphore_mem>>) src(%dma_wait3A_320 : memref<100x64xf32, #tpu.memory_space<vmem>>) dst(%dma_wait3A_326 : memref<3276800x64xf32, #tpu.memory_space<hbm>>)
      %dma_wait3A_327 = arith.constant 0 : i32
      %dma_wait3A_328 = arith.constant 8 : i32
      %dma_wait3A_329 = arith.constant 0 : i32
      %dma_wait3A_330 = arith.constant 0 : i32
      %dma_wait3A_331 = tpu.memref_slice %arg5[%dma_wait3A_327, %dma_wait3A_329, %dma_wait3A_330] : memref<2x100x64xf32, #tpu.memory_space<vmem>> -> memref<1x100x64xf32, #tpu.memory_space<vmem>>
      %dma_wait3A_332 = tpu.memref_squeeze %dma_wait3A_331 : memref<1x100x64xf32, #tpu.memory_space<vmem>> -> memref<100x64xf32, #tpu.memory_space<vmem>>
      %dma_wait3A_333 = arith.constant 0 : i32
      %dma_wait3A_334 = tpu.memref_slice %arg6[%rem3A_34, %dma_wait3A_328, %dma_wait3A_333] : memref<2x16x100xi32, #tpu.memory_space<vmem>> -> memref<1x1x100xi32, #tpu.memory_space<vmem>>
      %dma_wait3A_335 = tpu.memref_squeeze %dma_wait3A_334 : memref<1x1x100xi32, #tpu.memory_space<vmem>> -> memref<100xi32, #tpu.memory_space<vmem>>
      %dma_wait3A_336 = arith.constant 0 : i32
      %dma_wait3A_337 = arith.constant 0 : i32
      %dma_wait3A_338 = tpu.memref_slice %arg4[%dma_wait3A_336, %dma_wait3A_337] : memref<3276800x64xf32, #tpu.memory_space<hbm>> -> memref<3276800x64xf32, #tpu.memory_space<hbm>>
      tpu.wait_indirect_dma semaphore(%arg9 : memref<!tpu.dma_semaphore, #tpu.memory_space<semaphore_mem>>) src(%dma_wait3A_332 : memref<100x64xf32, #tpu.memory_space<vmem>>) dst(%dma_wait3A_338 : memref<3276800x64xf32, #tpu.memory_space<hbm>>)
      %dma_wait3A_339 = arith.constant 1 : i32
      %dma_wait3A_340 = arith.constant 9 : i32
      %dma_wait3A_341 = arith.constant 0 : i32
      %dma_wait3A_342 = arith.constant 0 : i32
      %dma_wait3A_343 = tpu.memref_slice %arg5[%dma_wait3A_339, %dma_wait3A_341, %dma_wait3A_342] : memref<2x100x64xf32, #tpu.memory_space<vmem>> -> memref<1x100x64xf32, #tpu.memory_space<vmem>>
      %dma_wait3A_344 = tpu.memref_squeeze %dma_wait3A_343 : memref<1x100x64xf32, #tpu.memory_space<vmem>> -> memref<100x64xf32, #tpu.memory_space<vmem>>
      %dma_wait3A_345 = arith.constant 0 : i32
      %dma_wait3A_346 = tpu.memref_slice %arg6[%rem3A_34, %dma_wait3A_340, %dma_wait3A_345] : memref<2x16x100xi32, #tpu.memory_space<vmem>> -> memref<1x1x100xi32, #tpu.memory_space<vmem>>
      %dma_wait3A_347 = tpu.memref_squeeze %dma_wait3A_346 : memref<1x1x100xi32, #tpu.memory_space<vmem>> -> memref<100xi32, #tpu.memory_space<vmem>>
      %dma_wait3A_348 = arith.constant 0 : i32
      %dma_wait3A_349 = arith.constant 0 : i32
      %dma_wait3A_350 = tpu.memref_slice %arg4[%dma_wait3A_348, %dma_wait3A_349] : memref<3276800x64xf32, #tpu.memory_space<hbm>> -> memref<3276800x64xf32, #tpu.memory_space<hbm>>
      tpu.wait_indirect_dma semaphore(%arg9 : memref<!tpu.dma_semaphore, #tpu.memory_space<semaphore_mem>>) src(%dma_wait3A_344 : memref<100x64xf32, #tpu.memory_space<vmem>>) dst(%dma_wait3A_350 : memref<3276800x64xf32, #tpu.memory_space<hbm>>)
      %dma_wait3A_351 = arith.constant 0 : i32
      %dma_wait3A_352 = arith.constant 10 : i32
      %dma_wait3A_353 = arith.constant 0 : i32
      %dma_wait3A_354 = arith.constant 0 : i32
      %dma_wait3A_355 = tpu.memref_slice %arg5[%dma_wait3A_351, %dma_wait3A_353, %dma_wait3A_354] : memref<2x100x64xf32, #tpu.memory_space<vmem>> -> memref<1x100x64xf32, #tpu.memory_space<vmem>>
      %dma_wait3A_356 = tpu.memref_squeeze %dma_wait3A_355 : memref<1x100x64xf32, #tpu.memory_space<vmem>> -> memref<100x64xf32, #tpu.memory_space<vmem>>
      %dma_wait3A_357 = arith.constant 0 : i32
      %dma_wait3A_358 = tpu.memref_slice %arg6[%rem3A_34, %dma_wait3A_352, %dma_wait3A_357] : memref<2x16x100xi32, #tpu.memory_space<vmem>> -> memref<1x1x100xi32, #tpu.memory_space<vmem>>
      %dma_wait3A_359 = tpu.memref_squeeze %dma_wait3A_358 : memref<1x1x100xi32, #tpu.memory_space<vmem>> -> memref<100xi32, #tpu.memory_space<vmem>>
      %dma_wait3A_360 = arith.constant 0 : i32
      %dma_wait3A_361 = arith.constant 0 : i32
      %dma_wait3A_362 = tpu.memref_slice %arg4[%dma_wait3A_360, %dma_wait3A_361] : memref<3276800x64xf32, #tpu.memory_space<hbm>> -> memref<3276800x64xf32, #tpu.memory_space<hbm>>
      tpu.wait_indirect_dma semaphore(%arg9 : memref<!tpu.dma_semaphore, #tpu.memory_space<semaphore_mem>>) src(%dma_wait3A_356 : memref<100x64xf32, #tpu.memory_space<vmem>>) dst(%dma_wait3A_362 : memref<3276800x64xf32, #tpu.memory_space<hbm>>)
      %dma_wait3A_363 = arith.constant 1 : i32
      %dma_wait3A_364 = arith.constant 11 : i32
      %dma_wait3A_365 = arith.constant 0 : i32
      %dma_wait3A_366 = arith.constant 0 : i32
      %dma_wait3A_367 = tpu.memref_slice %arg5[%dma_wait3A_363, %dma_wait3A_365, %dma_wait3A_366] : memref<2x100x64xf32, #tpu.memory_space<vmem>> -> memref<1x100x64xf32, #tpu.memory_space<vmem>>
      %dma_wait3A_368 = tpu.memref_squeeze %dma_wait3A_367 : memref<1x100x64xf32, #tpu.memory_space<vmem>> -> memref<100x64xf32, #tpu.memory_space<vmem>>
      %dma_wait3A_369 = arith.constant 0 : i32
      %dma_wait3A_370 = tpu.memref_slice %arg6[%rem3A_34, %dma_wait3A_364, %dma_wait3A_369] : memref<2x16x100xi32, #tpu.memory_space<vmem>> -> memref<1x1x100xi32, #tpu.memory_space<vmem>>
      %dma_wait3A_371 = tpu.memref_squeeze %dma_wait3A_370 : memref<1x1x100xi32, #tpu.memory_space<vmem>> -> memref<100xi32, #tpu.memory_space<vmem>>
      %dma_wait3A_372 = arith.constant 0 : i32
      %dma_wait3A_373 = arith.constant 0 : i32
      %dma_wait3A_374 = tpu.memref_slice %arg4[%dma_wait3A_372, %dma_wait3A_373] : memref<3276800x64xf32, #tpu.memory_space<hbm>> -> memref<3276800x64xf32, #tpu.memory_space<hbm>>
      tpu.wait_indirect_dma semaphore(%arg9 : memref<!tpu.dma_semaphore, #tpu.memory_space<semaphore_mem>>) src(%dma_wait3A_368 : memref<100x64xf32, #tpu.memory_space<vmem>>) dst(%dma_wait3A_374 : memref<3276800x64xf32, #tpu.memory_space<hbm>>)
      %dma_wait3A_375 = arith.constant 0 : i32
      %dma_wait3A_376 = arith.constant 12 : i32
      %dma_wait3A_377 = arith.constant 0 : i32
      %dma_wait3A_378 = arith.constant 0 : i32
      %dma_wait3A_379 = tpu.memref_slice %arg5[%dma_wait3A_375, %dma_wait3A_377, %dma_wait3A_378] : memref<2x100x64xf32, #tpu.memory_space<vmem>> -> memref<1x100x64xf32, #tpu.memory_space<vmem>>
      %dma_wait3A_380 = tpu.memref_squeeze %dma_wait3A_379 : memref<1x100x64xf32, #tpu.memory_space<vmem>> -> memref<100x64xf32, #tpu.memory_space<vmem>>
      %dma_wait3A_381 = arith.constant 0 : i32
      %dma_wait3A_382 = tpu.memref_slice %arg6[%rem3A_34, %dma_wait3A_376, %dma_wait3A_381] : memref<2x16x100xi32, #tpu.memory_space<vmem>> -> memref<1x1x100xi32, #tpu.memory_space<vmem>>
      %dma_wait3A_383 = tpu.memref_squeeze %dma_wait3A_382 : memref<1x1x100xi32, #tpu.memory_space<vmem>> -> memref<100xi32, #tpu.memory_space<vmem>>
      %dma_wait3A_384 = arith.constant 0 : i32
      %dma_wait3A_385 = arith.constant 0 : i32
      %dma_wait3A_386 = tpu.memref_slice %arg4[%dma_wait3A_384, %dma_wait3A_385] : memref<3276800x64xf32, #tpu.memory_space<hbm>> -> memref<3276800x64xf32, #tpu.memory_space<hbm>>
      tpu.wait_indirect_dma semaphore(%arg9 : memref<!tpu.dma_semaphore, #tpu.memory_space<semaphore_mem>>) src(%dma_wait3A_380 : memref<100x64xf32, #tpu.memory_space<vmem>>) dst(%dma_wait3A_386 : memref<3276800x64xf32, #tpu.memory_space<hbm>>)
      %dma_wait3A_387 = arith.constant 1 : i32
      %dma_wait3A_388 = arith.constant 13 : i32
      %dma_wait3A_389 = arith.constant 0 : i32
      %dma_wait3A_390 = arith.constant 0 : i32
      %dma_wait3A_391 = tpu.memref_slice %arg5[%dma_wait3A_387, %dma_wait3A_389, %dma_wait3A_390] : memref<2x100x64xf32, #tpu.memory_space<vmem>> -> memref<1x100x64xf32, #tpu.memory_space<vmem>>
      %dma_wait3A_392 = tpu.memref_squeeze %dma_wait3A_391 : memref<1x100x64xf32, #tpu.memory_space<vmem>> -> memref<100x64xf32, #tpu.memory_space<vmem>>
      %dma_wait3A_393 = arith.constant 0 : i32
      %dma_wait3A_394 = tpu.memref_slice %arg6[%rem3A_34, %dma_wait3A_388, %dma_wait3A_393] : memref<2x16x100xi32, #tpu.memory_space<vmem>> -> memref<1x1x100xi32, #tpu.memory_space<vmem>>
      %dma_wait3A_395 = tpu.memref_squeeze %dma_wait3A_394 : memref<1x1x100xi32, #tpu.memory_space<vmem>> -> memref<100xi32, #tpu.memory_space<vmem>>
      %dma_wait3A_396 = arith.constant 0 : i32
      %dma_wait3A_397 = arith.constant 0 : i32
      %dma_wait3A_398 = tpu.memref_slice %arg4[%dma_wait3A_396, %dma_wait3A_397] : memref<3276800x64xf32, #tpu.memory_space<hbm>> -> memref<3276800x64xf32, #tpu.memory_space<hbm>>
      tpu.wait_indirect_dma semaphore(%arg9 : memref<!tpu.dma_semaphore, #tpu.memory_space<semaphore_mem>>) src(%dma_wait3A_392 : memref<100x64xf32, #tpu.memory_space<vmem>>) dst(%dma_wait3A_398 : memref<3276800x64xf32, #tpu.memory_space<hbm>>)
      %dma_wait3A_399 = arith.constant 0 : i32
      %dma_wait3A_400 = arith.constant 14 : i32
      %dma_wait3A_401 = arith.constant 0 : i32
      %dma_wait3A_402 = arith.constant 0 : i32
      %dma_wait3A_403 = tpu.memref_slice %arg5[%dma_wait3A_399, %dma_wait3A_401, %dma_wait3A_402] : memref<2x100x64xf32, #tpu.memory_space<vmem>> -> memref<1x100x64xf32, #tpu.memory_space<vmem>>
      %dma_wait3A_404 = tpu.memref_squeeze %dma_wait3A_403 : memref<1x100x64xf32, #tpu.memory_space<vmem>> -> memref<100x64xf32, #tpu.memory_space<vmem>>
      %dma_wait3A_405 = arith.constant 0 : i32
      %dma_wait3A_406 = tpu.memref_slice %arg6[%rem3A_34, %dma_wait3A_400, %dma_wait3A_405] : memref<2x16x100xi32, #tpu.memory_space<vmem>> -> memref<1x1x100xi32, #tpu.memory_space<vmem>>
      %dma_wait3A_407 = tpu.memref_squeeze %dma_wait3A_406 : memref<1x1x100xi32, #tpu.memory_space<vmem>> -> memref<100xi32, #tpu.memory_space<vmem>>
      %dma_wait3A_408 = arith.constant 0 : i32
      %dma_wait3A_409 = arith.constant 0 : i32
      %dma_wait3A_410 = tpu.memref_slice %arg4[%dma_wait3A_408, %dma_wait3A_409] : memref<3276800x64xf32, #tpu.memory_space<hbm>> -> memref<3276800x64xf32, #tpu.memory_space<hbm>>
      tpu.wait_indirect_dma semaphore(%arg9 : memref<!tpu.dma_semaphore, #tpu.memory_space<semaphore_mem>>) src(%dma_wait3A_404 : memref<100x64xf32, #tpu.memory_space<vmem>>) dst(%dma_wait3A_410 : memref<3276800x64xf32, #tpu.memory_space<hbm>>)
      %dma_wait3A_411 = arith.constant 1 : i32
      %dma_wait3A_412 = arith.constant 15 : i32
      %dma_wait3A_413 = arith.constant 0 : i32
      %dma_wait3A_414 = arith.constant 0 : i32
      %dma_wait3A_415 = tpu.memref_slice %arg5[%dma_wait3A_411, %dma_wait3A_413, %dma_wait3A_414] : memref<2x100x64xf32, #tpu.memory_space<vmem>> -> memref<1x100x64xf32, #tpu.memory_space<vmem>>
      %dma_wait3A_416 = tpu.memref_squeeze %dma_wait3A_415 : memref<1x100x64xf32, #tpu.memory_space<vmem>> -> memref<100x64xf32, #tpu.memory_space<vmem>>
      %dma_wait3A_417 = arith.constant 0 : i32
      %dma_wait3A_418 = tpu.memref_slice %arg6[%rem3A_34, %dma_wait3A_412, %dma_wait3A_417] : memref<2x16x100xi32, #tpu.memory_space<vmem>> -> memref<1x1x100xi32, #tpu.memory_space<vmem>>
      %dma_wait3A_419 = tpu.memref_squeeze %dma_wait3A_418 : memref<1x1x100xi32, #tpu.memory_space<vmem>> -> memref<100xi32, #tpu.memory_space<vmem>>
      %dma_wait3A_420 = arith.constant 0 : i32
      %dma_wait3A_421 = arith.constant 0 : i32
      %dma_wait3A_422 = tpu.memref_slice %arg4[%dma_wait3A_420, %dma_wait3A_421] : memref<3276800x64xf32, #tpu.memory_space<hbm>> -> memref<3276800x64xf32, #tpu.memory_space<hbm>>
      tpu.wait_indirect_dma semaphore(%arg9 : memref<!tpu.dma_semaphore, #tpu.memory_space<semaphore_mem>>) src(%dma_wait3A_416 : memref<100x64xf32, #tpu.memory_space<vmem>>) dst(%dma_wait3A_422 : memref<3276800x64xf32, #tpu.memory_space<hbm>>)
    }
    %scan3A_32 = arith.constant 64 : i32
    return
  }
}

module attributes {stable_mosaic.version = 14 : i64} {
  func.func @_rank_body(%arg0: i32, %arg1: memref<8x200xf32, #tpu.memory_space<vmem>>, %arg2: memref<8x200xi32, #tpu.memory_space<vmem>>) attributes {dimension_semantics = [#tpu.dimension_semantics<arbitrary>], iteration_bounds = array<i64: 2048>, scalar_prefetch = 0 : i64, scratch_operands = 0 : i64, tpu.core_type = #tpu.core_type<tc>, window_params = [{transform_indices = @transform_0, window_bounds = array<i64: 8, 200>}, {transform_indices = @transform_1, window_bounds = array<i64: 8, 200>}]} {
    %get3A = arith.constant 0 : index
    %get3A_0 = arith.constant 0 : index
    %get3A_1 = vector.load %arg1[%get3A, %get3A_0] : memref<8x200xf32, #tpu.memory_space<vmem>>, vector<8x200xf32>
    %broadcast_in_dim3A = vector.shape_cast %get3A_1 : vector<8x200xf32> to vector<8x200x1xf32>
    %broadcast_in_dim3A_2 = vector.shape_cast %get3A_1 : vector<8x200xf32> to vector<8x1x200xf32>
    %iota3A = tpu.iota {dimensions = array<i32: 0>} : vector<200x200xi32>
    %iota3A_3 = tpu.iota {dimensions = array<i32: 1>} : vector<200x200xi32>
    %lt3A = arith.cmpi slt, %iota3A_3, %iota3A : vector<200x200xi32>
    %broadcast_in_dim3A_4 = vector.shape_cast %lt3A : vector<200x200xi1> to vector<1x200x200xi1>
    %lt3A_5 = vector.broadcast %broadcast_in_dim3A_2 : vector<8x1x200xf32> to vector<8x200x200xf32>
    %lt3A_6 = vector.broadcast %broadcast_in_dim3A : vector<8x200x1xf32> to vector<8x200x200xf32>
    %lt3A_7 = arith.cmpf olt, %lt3A_5, %lt3A_6 : vector<8x200x200xf32>
    %eq3A = vector.broadcast %broadcast_in_dim3A_2 : vector<8x1x200xf32> to vector<8x200x200xf32>
    %eq3A_8 = vector.broadcast %broadcast_in_dim3A : vector<8x200x1xf32> to vector<8x200x200xf32>
    %eq3A_9 = arith.cmpf oeq, %eq3A, %eq3A_8 : vector<8x200x200xf32>
    %and3A = vector.broadcast %broadcast_in_dim3A_4 : vector<1x200x200xi1> to vector<8x200x200xi1>
    %and3A_10 = arith.andi %eq3A_9, %and3A : vector<8x200x200xi1>
    %or3A = arith.ori %lt3A_7, %and3A_10 : vector<8x200x200xi1>
    %jit3A = arith.constant 1.000000e+00 : f32
    %jit3A_11 = arith.constant 0.000000e+00 : f32
    %broadcast_in_dim3A_12 = vector.broadcast %jit3A : f32 to vector<8x200x200xf32>
    %broadcast_in_dim3A_13 = vector.broadcast %jit3A_11 : f32 to vector<8x200x200xf32>
    %select_n3A = arith.select %or3A, %broadcast_in_dim3A_12, %broadcast_in_dim3A_13 : vector<8x200x200xi1>, vector<8x200x200xf32>
    %reduce_sum3A = arith.constant dense<0.000000e+00> : vector<8x200xf32>
    %reduce_sum3A_14 = vector.multi_reduction <add>, %select_n3A, %reduce_sum3A [2] : vector<8x200x200xf32> to vector<8x200xf32>
    %mul3A = arith.constant 8 : i32
    %mul3A_15 = arith.muli %arg0, %mul3A : i32
    %iota3A_16 = tpu.iota {dimensions = array<i32: 0>} : vector<8x200xi32>
    %convert_element_type3A = arith.fptosi %reduce_sum3A_14 : vector<8x200xf32> to vector<8x200xi32>
    %add3A = vector.broadcast %mul3A_15 : i32 to vector<8x200xi32>
    %add3A_17 = arith.addi %add3A, %iota3A_16 : vector<8x200xi32>
    %mul3A_18 = arith.constant 200 : i32
    %mul3A_19 = vector.broadcast %mul3A_18 : i32 to vector<8x200xi32>
    %mul3A_20 = arith.muli %add3A_17, %mul3A_19 : vector<8x200xi32>
    %add3A_21 = arith.addi %convert_element_type3A, %mul3A_20 : vector<8x200xi32>
    %swap3A = arith.constant 0 : index
    %swap3A_22 = arith.constant 0 : index
    %swap3A_23 = vector.load %arg2[%swap3A, %swap3A_22] : memref<8x200xi32, #tpu.memory_space<vmem>>, vector<8x200xi32>
    tpu.vector_store %arg2[%swap3A, %swap3A_22], %add3A_21 {strides = array<i32>} : memref<8x200xi32, #tpu.memory_space<vmem>>, vector<8x200xi32>,
    return
  }
  func.func @transform_0(%arg0: i32) -> (i32, i32) {
    %c0_i32 = arith.constant 0 : i32
    %c0_i32_0 = arith.constant 0 : i32
    return %arg0, %c0_i32 : i32, i32
  }
  func.func @transform_1(%arg0: i32) -> (i32, i32) {
    %c0_i32 = arith.constant 0 : i32
    %c0_i32_0 = arith.constant 0 : i32
    return %arg0, %c0_i32 : i32, i32
  }
}

</mosaic_0001>

<sc_bundles>
// kernel: kernel.4.cloned.1.call-start
scs
__scs_entry_jumppad:
0x0: {  	(pc) =	sbr.rel $0x88, $3  }
0x1: {  	(tag) =	ssettag $0x0;
	lr =	simm.s32 $0x1  }
0x2: {  	[smem:$0x3F9F] =	sst lr;
	_ =	strace $0xD0000000  }
0x3: {  	_ = 	snop  }
0x4: {  	_ = 	snop  }
0x5: {  	_ = 	snop  }
0x6: {  	_ = 	snop  }
0x7: {  	_ = 	snop  }
__scs_overlays_trampoline_lowered:
0x8: {  	[smem:$0x3FAE] =	sst s0  }
0x9: {  	[smem:$0x3FAF] =	sst s1  }
0xa: {  	[smem:$0x3FB0] =	sst s2  }
0xb: {  	[smem:$0x3FB1] =	sst s3  }
0xc: {  	[smem:$0x3FB2] =	sst s4  }
0xd: {  	[smem:$0x3FB3] =	sst s5  }
0xe: {  	[smem:$0x3FB4] =	sst s6  }
0xf: {  	[smem:$0x3FB5] =	sst s7  }
0x10: {  	[smem:$0x3FB6] =	sst s8  }
0x11: {  	[smem:$0x3FB7] =	sst s9;
	s0 =	simm.s32 @!p0 $0x0  }
0x12: {  	s1 =	sld [smem:$0x3F9D];
	s0 =	simm.s32 @p0 $0x1  }
0x13: {  	[smem:$0x3FB8] =	sst s0;
	s0 =	simm.s32 @!p1 $0x0  }
0x14: {  	s2 =	sld [smem:$0x3F9C];
	s0 =	simm.s32 @p1 $0x1  }
0x15: {  	[smem:$0x3FB9] =	sst s0;
	s0 =	simm.s32 @!p2 $0x0  }
0x16: {  	s3 =	sld [smem:$0x3FDB];
	s0 =	simm.s32 @p2 $0x1  }
0x17: {  	s4 =	simm.s32 $0x1BF5;
	[smem:$0x3FBB] =	sst s0  }
0x18: {  	s0 =	sld [smem:$0x3F9E];
	_ =	swait.ge [sflag:s4], $0x0  }
0x19: {  	s7 =	sld [smem:$0x3F9F]  }
0x1a: {  	s8 =	sadd.s32 $0xFFFFE003, lr  }
0x1b: {  	s9 =	sadd.s32 $0xFFFFFEF7, lr;
	s5 =	simm.s32 $0xFFFFFFFF;
	p2 =	slt.u32 s8, $0xFFFFF086  }
0x1c: {  	p1 =	slt.u32 s9, $0xF7A;
	s5 =	simm.s32 @!p2 $0x0  }
0x1d: {  	s5 =	simm.s32 @p1 $0x1;
	p0 =	seq.s32 s7, s2  }
0x1e: {  	s7 =	smul.u32 @!p0 $0xF7A, s2;
	p2 =	seq.s32 @!p0 s5, $0x0  }
0x1f: {  	s9 =	smul.u32 $0xF7A, s1;
	s8 =	simm.s32 @!p0 $0x1BF5;
	p2 =	por !p2, p0  }
0x20: {  	[sflag:s8] =	ssyncset.s32 @!p0 $0xFFFFF086;
	s6 =	sadd.s32 @!p0 s3, s7;
	s7 =	simm.s32 @!p0 $0x108  }
0x21: {  	s3 =	sadd.s32 s3, s9;
	s6 =	sadd.s32 @!p0 $0x88, s6;
	s7 =	simm.s32 @p2 $0x1082  }
0x22: {  	[simem:s7], [sflag:s8] =	dma.local @!p0 [hbm:s6], $0xF7A  }
0x23: {  	s9 =	sor.u32 $0xD0000000, s2;
	s6 =	simm.s32 $0x108;
	_ =	swait.ge @!p0 [sflag:s8], $0x0  }
0x24: {  	s3 =	sadd.s32 $0x88, s3;
	s6 =	simm.s32 @!p1 $0x1082;
	[sflag:s4] =	ssyncset.s32 $0xFFFFF086  }
0x25: {  	[simem:s6], [sflag:s4] =	dma.local [hbm:s3], $0xF7A  }
0x26: {  	[smem:$0x3F9F] =	sst s1;
	(tag) =	ssettag s2;
	_ =	strace s9  }
0x27: {  	s1 =	sld [smem:$0x3FAF]  }
0x28: {  	s2 =	sld [smem:$0x3FB0]  }
0x29: {  	s4 =	sld [smem:$0x3FB2]  }
0x2a: {  	p0 =	seq.s32 s5, $0x0;
	s5 =	sld [smem:$0x3FB3]  }
0x2b: {  	s6 =	sld [smem:$0x3FB4]  }
0x2c: {  	s7 =	sld [smem:$0x3FB5]  }
0x2d: {  	s3 =	simm.s32 $0x108;
	s8 =	sld [smem:$0x3FB6]  }
0x2e: {  	s3 =	simm.s32 @!p0 $0x1082;
	s9 =	sld [smem:$0x3FB7]  }
0x2f: {  	lr =	sadd.s32 s0, s3;
	s0 =	sld [smem:$0x3FAE]  }
0x30: {  	s3 =	sld [smem:$0x3FB1]  }
0x31: {  	[smem:$0x3FBA] =	sst s10  }
0x32: {  	s10 =	sld [smem:$0x3FB8];
	_ =	sdelay $0x3  }
0x33: {  	p0 =	seq.s32 s10, $0x1;
	s10 =	sld [smem:$0x3FBA];
	_ =	sdelay $0x3  }
0x34: {  	[smem:$0x3FBA] =	sst s10  }
0x35: {  	s10 =	sld [smem:$0x3FB9];
	_ =	sdelay $0x3  }
0x36: {  	p1 =	seq.s32 s10, $0x1;
	s10 =	sld [smem:$0x3FBA];
	_ =	sdelay $0x3  }
0x37: {  	[smem:$0x3FBA] =	sst s10  }
0x38: {  	s10 =	sld [smem:$0x3FBB]  }
0x39: {  	_ = 	snop;
	(pc) =	sbr.ind lr, $3  }
0x3a: {  	_ = 	snop  }
0x3b: {  	_ = 	snop  }
0x3c: {  	p2 =	seq.s32 s10, $0x1;
	s10 =	sld [smem:$0x3FBA]  }
0x3d: {  	_ =	shalt  }
0x3e: {  	_ =	shalt  }
0x3f: {  	_ =	shalt  }
0x40: {  	_ =	shalt  }
0x41: {  	_ =	shalt  }
0x42: {  	_ =	shalt  }
0x43: {  	_ =	shalt  }
0x44: {  	_ =	shalt  }
0x45: {  	_ =	shalt  }
0x46: {  	_ =	shalt  }
0x47: {  	_ =	shalt  }
0x48: {  	_ =	shalt  }
0x49: {  	_ =	shalt  }
0x4a: {  	_ =	shalt  }
0x4b: {  	_ =	shalt  }
0x4c: {  	_ =	shalt  }
0x4d: {  	_ =	shalt  }
0x4e: {  	_ =	shalt  }
0x4f: {  	_ =	shalt  }
0x50: {  	_ =	shalt  }
0x51: {  	_ =	shalt  }
0x52: {  	_ =	shalt  }
0x53: {  	_ =	shalt  }
0x54: {  	_ =	shalt  }
0x55: {  	_ =	shalt  }
0x56: {  	_ =	shalt  }
0x57: {  	_ =	shalt  }
0x58: {  	_ =	shalt  }
0x59: {  	_ =	shalt  }
0x5a: {  	_ =	shalt  }
0x5b: {  	_ =	shalt  }
0x5c: {  	_ =	shalt  }
0x5d: {  	_ =	shalt  }
0x5e: {  	_ =	shalt  }
0x5f: {  	_ =	shalt  }
0x60: {  	_ =	shalt  }
0x61: {  	_ =	shalt  }
0x62: {  	_ =	shalt  }
0x63: {  	_ =	shalt  }
0x64: {  	_ =	shalt  }
0x65: {  	_ =	shalt  }
0x66: {  	_ =	shalt  }
0x67: {  	_ =	shalt  }
0x68: {  	_ =	shalt  }
0x69: {  	_ =	shalt  }
0x6a: {  	_ =	shalt  }
0x6b: {  	_ =	shalt  }
0x6c: {  	_ =	shalt  }
0x6d: {  	_ =	shalt  }
0x6e: {  	_ =	shalt  }
0x6f: {  	_ =	shalt  }
0x70: {  	_ =	shalt  }
0x71: {  	_ =	shalt  }
0x72: {  	_ =	shalt  }
0x73: {  	_ =	shalt  }
0x74: {  	_ =	shalt  }
0x75: {  	_ =	shalt  }
0x76: {  	_ =	shalt  }
0x77: {  	_ =	shalt  }
0x78: {  	_ =	shalt  }
0x79: {  	_ =	shalt  }
0x7a: {  	_ =	shalt  }
0x7b: {  	_ =	shalt  }
0x7c: {  	_ =	shalt  }
0x7d: {  	_ =	shalt  }
0x7e: {  	_ =	shalt  }
0x7f: {  	_ =	shalt  }
0x80: {  	_ =	shalt  }
0x81: {  	_ =	shalt  }
0x82: {  	_ =	shalt  }
0x83: {  	_ =	shalt  }
0x84: {  	_ =	shalt  }
0x85: {  	_ =	shalt  }
0x86: {  	_ =	shalt  }
0x87: {  	_ =	shalt  }
.Lfunc_end0:
.L_simem_size_0:
called_computation.1_lowered:
.L_overlay_start_0:
0x88: {  	s2 =	sld [smem:$0x3FD9]  }
0x89: {  	s3 =	sld [smem:$0x3FFE];
	_ =	sdelay $0x1  }
0x8a: {  	s1 =	srdreg.scid  }
0x8b: {  	s0 =	sand.u32 $0x1, s1  }
0x8c: {  	s17 =	sshll.u32 s0, $0xA;
	s2 =	sadd.s32 s3, s2  }
0x8d: {  	s2 =	sadd.s32 s2, s17  }
0x8e: {  	[smem:$0x3FC6] =	sst s2  }
0x8f: {  	_ = 	snop  }
0x90: {  	s2 =	sld [smem:$0x3FD0];
	(tm) =	ssettm $0x1  }
0x91: {  	s18 =	sld [smem:$0x3FFB];
	_ =	sdelay $0x3  }
0x92: {  	_ =	strace s18  }
0x93: {  	s3 =	sld [smem:$0x3FFC];
	_ =	sdelay $0x3  }
0x94: {  	_ =	strace s3  }
0x95: {  	s3 =	sld [smem:$0x3FFD];
	_ =	sdelay $0x3  }
0x96: {  	_ =	strace s3  }
0x97: {  	_ =	strace $0x8FFFFFFF  }
0x98: {  	s19 =	sld [smem:$0x3FDB];
	_ =	sdelay $0x1  }
0x99: {  	s4 =	simm.s32 $_scs_section_size  }
0x9a: {  	s5 =	simm.s32 $_size__tile_overlayer_lowered;
	s6 =	simm.s32 $_tile_overlayer_lowered  }
0x9b: {  	s22 =	simm.s32 $0x1BFF;
	s21 =	sshll.u32 s6, $0x1;
	s3 =	sadd.s32 s4, s19  }
0x9c: {  	s7 =	simm.s32 $0x0;
	s20 =	sshll.u32 s5, $0x1;
	s5 =	sadd.s32 s21, s3  }
0x9d: {  	[timem:s7], [sflag:s22] =	dma.local [hbm:s5], s20  }
0x9e: {  	_ =	swait.ge [sflag:s22], s20  }
0x9f: {  	s4 =	ssub.s32 $0x0, s20;
	[sflag:s22] =	ssyncset.done $0x0  }
0xa0: {  	[sflag:s22] =	ssyncadd.s32 s4;
	_ =	sdelay $0x1  }
0xa1: {  	s23 =	simm.s32 $0x1B8B  }
0xa2: {  	_ =	swait.ge [sflag:s23], $0x1  }
0xa3: {  	[sflag:s23] =	ssyncset.done $0x0  }
0xa4: {  	s25 =	simm.s32 $0x1B8E;
	s24 =	sld [smem:$0x3FFE];
	[sflag:s23] =	ssyncadd.s32 $0xFFFFFFFF  }
0xa5: {  	s26 =	simm.s32 $execute0_lowered;
	[smem:$0x3FD2] =	sst s25  }
0xa6: {  	s5 =	sshll.u32 s26, $0x1;
	_ =	strace $0x80000046;
	[dreg:$0x1] =	wrdreg $0xFFFFFFFF  }
0xa7: {  	s28 =	simm.s32 $_size_execute0_lowered;
	s3 =	sadd.s32 s3, s5;
	[dreg:$0x0] =	wrdreg $0x0  }
0xa8: {  	s5 =	sshll.u32 s28, $0x1;
	[dreg:$0x2] =	wrdreg s3  }
0xa9: {  	[dreg:$0x3] =	wrdreg s5  }
0xaa: {  	[dreg:$0x4] =	wrdreg $0xC0  }
0xab: {  	_ =	task [dreg:s7], $0x5FFFF  }
0xac: {  	[dreg:$0x1] =	wrdreg $0xFFFFFFFF  }
0xad: {  	[dreg:$0x0] =	wrdreg $0x60  }
0xae: {  	[dreg:$0x2] =	wrdreg s24  }
0xaf: {  	[dreg:$0x3] =	wrdreg s2  }
0xb0: {  	[dreg:$0x4] =	wrdreg $0x9  }
0xb1: {  	_ =	task.clear_ibuf [dreg:s7], $0x5FFFF;
	_ =	strace $0x90000046  }
0xb2: {  	s29 =	simm.s32 $0x9;
	_ =	strace $0x80000048  }
0xb3: {  	_ =	swait.ge [sflag:s29], $0x1  }
0xb4: {  	[sflag:s29] =	ssyncadd.s32 $0xFFFFFFFF  }
0xb5: {  	_ =	strace $0x90000048  }
0xb6: {  	_ =	sfence  }
0xb7: {  	s30 =	sld [smem:$0x0];
	_ =	sdelay $0x2  }
0xb8: {  	s31 =	sshll.u32 s1, $0xD;
	s1 =	sshrl.u32 s1, $0x2  }
0xb9: {  	s3 =	sand.u32 $0x4000, s31;
	s1 =	sadd.s32 s1, s30  }
0xba: {  	s0 =	sor.u32 s3, s0;
	s1 =	sshll.u32 s1, $0x11  }
0xbb: {  	s0 =	sor.u32 s1, s0  }
0xbc: {  	s0 =	sadd.s32 $0x8F2B, s0  }
0xbd: {  	[sflag:s0] =	ssyncadd.remote.s32 $0x1  }
0xbe: {  	_ =	sfence.sel $0xFFFF  }
0xbf: {  	[dreg:$0x0] =	wrdreg $0xFFFFFFFF;
	(pc) =	sbr.abs _section_cstart, $3  }
0xc0: {  	[dreg:$0x1] =	wrdreg $0xFFFFFFFF  }
0xc1: {  	_ =	task.clear_ibuf [dreg:s7], $0x2FFFF;
	_ =	strace $0x9FFFFFFF  }
0xc2: {  	(tm) =	ssettm $0x7FFFFFFF  }
0xc3: {  	_ =	shalt  }
tec
execute0_lowered:
.L_overlay_start_1:
0x0: {  	(tag) =	ssettag $0x1  }
0x1: {  	s1 =	srdreg.scid;
	s4 =	rddreg [dreg:$0x0]  }
0x2: {  	s0 =	stileid.u32;
	s2 =	rddreg [dreg:$0x1];
	s3 =	simm.s32 $0x0  }
0x3: {  	s11 =	simm.s32 $0x64;
	s12 =	simm.s32 $0x1900;
	s13 =	simm.s32 $0x3  }
0x4: {  	s14 =	simm.s32 $0x0;
	s5 =	sand.u32 $0x1, s1;
	s1 =	rddreg [dreg:$0x2]  }
0x5: {  	s6 =	sshll.u32 s0, $0xB;
	[smem:$0x7FF] =	sst s3;
	s30 =	smul.u32 $0x6800, s0  }
0x6: {  	s8 =	sadd.s32 $0x1000, s4;
	s4 =	sadd.s32 $0x800, s4;
	s7 =	sshll.u32 s5, $0xA  }
0x7: {  	s9 =	ssub.s32 $0x2, s5;
	s10 =	smul.u32 $0x3400, s5;
	s6 =	sor.u32 s7, s6  }
0x8: {  	s31 =	sshrl.u32 s9, $0x1;
	s7 =	sadd.s32 s30, s8;
	s6 =	smul.u32 $0xD, s6  }
0x9: {  	_ =	strace $0x80000047;
	s9 =	ssub.s32 s9, s31;
	s7 =	sadd.s32 s10, s7  }
0xa: {  	s10 =	simm.s32 $0x2;
	s7 =	sadd.s32 $0xD0, s7;
	s5 =	sadd.s32 s8, s6  }
0xb: {  	s6 =	smax.u32 s9, $0x1;
	s8 =	simm.s32 $0x3200;
	s9 =	simm.s32 $0x1  }
.LBB2_1:
0xc: {  	[tilespmem:s3], [sflag:$0x1] =	stream.linear.gather [hbm4b:s4+s3], $0x3200, $0x38;
	[tilespmem:$0x3F00] =	vst v63  }
0xd: {  	_ = 	snop  }
0xe: {  	[tilespmem:s8], [sflag:$0x2] =	stream.linear.gather [hbm4b:s5+s3], $0x680, $0x38;
	[tilespmem:$0x3F00] =	vst v63  }
0xf: {  	_ =	swait.ge [sflag:s9], $0x3200  }
0x10: {  	s15 =	sand.u32 $0x1, s3;
	[sflag:s9] =	ssyncset.done $0x0  }
0x11: {  	s16 =	smul.u32 $0x1A00, s15;
	[sflag:s9] =	ssyncadd.s32 $0xFFFFCE00  }
0x12: {  	_ =	swait.ge [sflag:s10], $0x680  }
0x13: {  	s16 =	sshrl.u32 s16, $0x2;
	[sflag:s10] =	ssyncset.done $0x0  }
0x14: {  	s17 =	sadd.s32 $0x3200, s16;
	[sflag:s10] =	ssyncadd.s32 $0xFFFFF980  }
0x15: {  	[hbm4b:s2+s11] =	stream.indirect.scatter [tilespmem:s3], [sflag:$0x3], $0x40, s17, s11, $0xb8;
	[tilespmem:$0x3F00] =	vst v63  }
0x16: {  	s29 =	sadd.s32 $0x3268, s16  }
0x17: {  	[hbm4b:s2+s11] =	stream.indirect.scatter [tilespmem:s12], [sflag:$0x3], $0x40, s29, s11, $0xb8;
	[tilespmem:$0x3F00] =	vst v63  }
0x18: {  	s30 =	sadd.s32 $0x32D0, s16  }
0x19: {  	[hbm4b:s2+s11] =	stream.indirect.scatter [tilespmem:s3], [sflag:$0x3], $0x40, s30, s11, $0xb8;
	[tilespmem:$0x3F00] =	vst v63  }
0x1a: {  	s31 =	sadd.s32 $0x3338, s16  }
0x1b: {  	[hbm4b:s2+s11] =	stream.indirect.scatter [tilespmem:s12], [sflag:$0x3], $0x40, s31, s11, $0xb8;
	[tilespmem:$0x3F00] =	vst v63  }
0x1c: {  	s18 =	sadd.s32 $0x33A0, s16  }
0x1d: {  	[hbm4b:s2+s11] =	stream.indirect.scatter [tilespmem:s3], [sflag:$0x3], $0x40, s18, s11, $0xb8;
	[tilespmem:$0x3F00] =	vst v63  }
0x1e: {  	s19 =	sadd.s32 $0x3408, s16  }
0x1f: {  	[hbm4b:s2+s11] =	stream.indirect.scatter [tilespmem:s12], [sflag:$0x3], $0x40, s19, s11, $0xb8;
	[tilespmem:$0x3F00] =	vst v63  }
0x20: {  	s20 =	sadd.s32 $0x3470, s16  }
0x21: {  	[hbm4b:s2+s11] =	stream.indirect.scatter [tilespmem:s3], [sflag:$0x3], $0x40, s20, s11, $0xb8;
	[tilespmem:$0x3F00] =	vst v63  }
0x22: {  	s21 =	sadd.s32 $0x34D8, s16  }
0x23: {  	[hbm4b:s2+s11] =	stream.indirect.scatter [tilespmem:s12], [sflag:$0x3], $0x40, s21, s11, $0xb8;
	[tilespmem:$0x3F00] =	vst v63  }
0x24: {  	s22 =	sadd.s32 $0x3540, s16  }
0x25: {  	[hbm4b:s2+s11] =	stream.indirect.scatter [tilespmem:s3], [sflag:$0x3], $0x40, s22, s11, $0xb8;
	[tilespmem:$0x3F00] =	vst v63  }
0x26: {  	s23 =	sadd.s32 $0x35A8, s16  }
0x27: {  	[hbm4b:s2+s11] =	stream.indirect.scatter [tilespmem:s12], [sflag:$0x3], $0x40, s23, s11, $0xb8;
	[tilespmem:$0x3F00] =	vst v63  }
0x28: {  	s24 =	sadd.s32 $0x3610, s16  }
0x29: {  	[hbm4b:s2+s11] =	stream.indirect.scatter [tilespmem:s3], [sflag:$0x3], $0x40, s24, s11, $0xb8;
	[tilespmem:$0x3F00] =	vst v63  }
0x2a: {  	s25 =	sadd.s32 $0x3678, s16  }
0x2b: {  	[hbm4b:s2+s11] =	stream.indirect.scatter [tilespmem:s12], [sflag:$0x3], $0x40, s25, s11, $0xb8;
	[tilespmem:$0x3F00] =	vst v63  }
0x2c: {  	p0 =	por $0x0, $0x0;
	s26 =	sadd.s32 $0x36E0, s16  }
0x2d: {  	[hbm4b:s2+s11] =	stream.indirect.scatter [tilespmem:s3], [sflag:$0x3], $0x40, s26, s11, $0xb8;
	[tilespmem:$0x3F00] =	vst v63  }
0x2e: {  	s15 =	sxor.u32 @!p0 $0x1, s15;
	s28 =	sadd.s32 $0x3748, s16  }
0x2f: {  	[hbm4b:s2+s11] =	stream.indirect.scatter [tilespmem:s12], [sflag:$0x3], $0x40, s28, s11, $0xb8;
	[tilespmem:$0x3F00] =	vst v63  }
0x30: {  	s15 =	smul.u32 @!p0 $0x1A00, s15;
	s29 =	sadd.s32 $0x37B0, s16  }
0x31: {  	[hbm4b:s2+s11] =	stream.indirect.scatter [tilespmem:s3], [sflag:$0x3], $0x40, s29, s11, $0xb8;
	[tilespmem:$0x3F00] =	vst v63  }
0x32: {  	s15 =	sshrl.u32 @!p0 s15, $0x2;
	s16 =	sor.u32 $0x3818, s16  }
0x33: {  	[hbm4b:s2+s11] =	stream.indirect.scatter [tilespmem:s12], [sflag:$0x3], $0x40, s16, s11, $0xb8;
	[tilespmem:$0x3F00] =	vst v63  }
0x34: {  	s15 =	sadd.s32 @!p0 $0x3200, s15;
	s17 =	simm.s32 @!p0 $0x2;
	s16 =	simm.s32 @!p0 $0x0  }
0x35: {  	[tilespmem:s15], [sflag:$0x2] =	stream.linear.gather @!p0 [hbm4b:s7+s16], $0x680, $0x38;
	[tilespmem:$0x3F00] =	vst v63  }
0x36: {  	_ =	swait.ge @!p0 [sflag:s17], $0x680  }
0x37: {  	[sflag:s17] =	ssyncset.done @!p0 $0x0  }
0x38: {  	[sflag:s17] =	ssyncadd.s32 @!p0 $0xFFFFF980  }
0x39: {  	_ =	swait.ge [sflag:s13], $0x1900  }
0x3a: {  	[sflag:s13] =	ssyncset.done $0x0  }
0x3b: {  	[sflag:s13] =	ssyncadd.s32 $0xFFFFE700  }
0x3c: {  	_ =	swait.ge [sflag:s13], $0x1900  }
0x3d: {  	[sflag:s13] =	ssyncset.done $0x0  }
0x3e: {  	[sflag:s13] =	ssyncadd.s32 $0xFFFFE700  }
0x3f: {  	_ =	swait.ge [sflag:s13], $0x1900  }
0x40: {  	[sflag:s13] =	ssyncset.done $0x0  }
0x41: {  	[sflag:s13] =	ssyncadd.s32 $0xFFFFE700  }
0x42: {  	_ =	swait.ge [sflag:s13], $0x1900  }
0x43: {  	[sflag:s13] =	ssyncset.done $0x0  }
0x44: {  	[sflag:s13] =	ssyncadd.s32 $0xFFFFE700  }
0x45: {  	_ =	swait.ge [sflag:s13], $0x1900  }
0x46: {  	[sflag:s13] =	ssyncset.done $0x0  }
0x47: {  	[sflag:s13] =	ssyncadd.s32 $0xFFFFE700  }
0x48: {  	_ =	swait.ge [sflag:s13], $0x1900  }
0x49: {  	[sflag:s13] =	ssyncset.done $0x0  }
0x4a: {  	[sflag:s13] =	ssyncadd.s32 $0xFFFFE700  }
0x4b: {  	_ =	swait.ge [sflag:s13], $0x1900  }
0x4c: {  	[sflag:s13] =	ssyncset.done $0x0  }
0x4d: {  	[sflag:s13] =	ssyncadd.s32 $0xFFFFE700  }
0x4e: {  	_ =	swait.ge [sflag:s13], $0x1900  }
0x4f: {  	[sflag:s13] =	ssyncset.done $0x0  }
0x50: {  	[sflag:s13] =	ssyncadd.s32 $0xFFFFE700  }
0x51: {  	_ =	swait.ge [sflag:s13], $0x1900  }
0x52: {  	[sflag:s13] =	ssyncset.done $0x0  }
0x53: {  	[sflag:s13] =	ssyncadd.s32 $0xFFFFE700  }
0x54: {  	_ =	swait.ge [sflag:s13], $0x1900  }
0x55: {  	[sflag:s13] =	ssyncset.done $0x0  }
0x56: {  	[sflag:s13] =	ssyncadd.s32 $0xFFFFE700  }
0x57: {  	_ =	swait.ge [sflag:s13], $0x1900  }
0x58: {  	[sflag:s13] =	ssyncset.done $0x0  }
0x59: {  	[sflag:s13] =	ssyncadd.s32 $0xFFFFE700  }
0x5a: {  	_ =	swait.ge [sflag:s13], $0x1900  }
0x5b: {  	[sflag:s13] =	ssyncset.done $0x0  }
0x5c: {  	[sflag:s13] =	ssyncadd.s32 $0xFFFFE700  }
0x5d: {  	_ =	swait.ge [sflag:s13], $0x1900  }
0x5e: {  	[sflag:s13] =	ssyncset.done $0x0  }
0x5f: {  	[sflag:s13] =	ssyncadd.s32 $0xFFFFE700  }
0x60: {  	_ =	swait.ge [sflag:s13], $0x1900  }
0x61: {  	[sflag:s13] =	ssyncset.done $0x0  }
0x62: {  	[sflag:s13] =	ssyncadd.s32 $0xFFFFE700  }
0x63: {  	s30 =	simm.s32 $0x1;
	_ =	swait.ge [sflag:s13], $0x1900  }
0x64: {  	p1 =	por $0x0, $0x0;
	s15 =	sand.u32 $0x1, s30;
	[sflag:s13] =	ssyncset.done $0x0  }
0x65: {  	s31 =	smul.u32 $0x1A00, s15;
	s15 =	sxor.u32 @!p1 $0x1, s15;
	[sflag:s13] =	ssyncadd.s32 $0xFFFFE700  }
0x66: {  	s16 =	simm.s32 $0x2;
	s18 =	smul.u32 @!p1 $0x1A00, s15;
	_ =	swait.ge [sflag:s13], $0x1900  }
0x67: {  	s15 =	sadd.s32 $0xD0, s7;
	s19 =	sshrl.u32 s31, $0x2;
	[sflag:s13] =	ssyncset.done $0x0  }
.LBB2_2:
0x68: {  	s20 =	sadd.s32 $0x3200, s19  }
0x69: {  	[sflag:s13] =	ssyncadd.s32 $0xFFFFE700;
	s17 =	smov.u32 s16;
	s16 =	sadd.s32 $0x1, s16  }
0x6a: {  	[hbm4b:s2+s11] =	stream.indirect.scatter [tilespmem:s3], [sflag:$0x3], $0x40, s20, s11, $0xb8;
	[tilespmem:$0x3F00] =	vst v63  }
0x6b: {  	p0 =	sne.s32 s16, $0x40;
	s20 =	sadd.s32 $0x3268, s19  }
0x6c: {  	[hbm4b:s2+s11] =	stream.indirect.scatter [tilespmem:s12], [sflag:$0x3], $0x40, s20, s11, $0xb8;
	[tilespmem:$0x3F00] =	vst v63  }
0x6d: {  	s20 =	sadd.s32 $0x32D0, s19  }
0x6e: {  	[hbm4b:s2+s11] =	stream.indirect.scatter [tilespmem:s3], [sflag:$0x3], $0x40, s20, s11, $0xb8;
	[tilespmem:$0x3F00] =	vst v63  }
0x6f: {  	s20 =	sadd.s32 $0x3338, s19  }
0x70: {  	[hbm4b:s2+s11] =	stream.indirect.scatter [tilespmem:s12], [sflag:$0x3], $0x40, s20, s11, $0xb8;
	[tilespmem:$0x3F00] =	vst v63  }
0x71: {  	s20 =	sadd.s32 $0x33A0, s19  }
0x72: {  	[hbm4b:s2+s11] =	stream.indirect.scatter [tilespmem:s3], [sflag:$0x3], $0x40, s20, s11, $0xb8;
	[tilespmem:$0x3F00] =	vst v63  }
0x73: {  	s20 =	sadd.s32 $0x3408, s19  }
0x74: {  	[hbm4b:s2+s11] =	stream.indirect.scatter [tilespmem:s12], [sflag:$0x3], $0x40, s20, s11, $0xb8;
	[tilespmem:$0x3F00] =	vst v63  }
0x75: {  	s20 =	sadd.s32 $0x3470, s19  }
0x76: {  	[hbm4b:s2+s11] =	stream.indirect.scatter [tilespmem:s3], [sflag:$0x3], $0x40, s20, s11, $0xb8;
	[tilespmem:$0x3F00] =	vst v63  }
0x77: {  	s20 =	sadd.s32 $0x34D8, s19  }
0x78: {  	[hbm4b:s2+s11] =	stream.indirect.scatter [tilespmem:s12], [sflag:$0x3], $0x40, s20, s11, $0xb8;
	[tilespmem:$0x3F00] =	vst v63  }
0x79: {  	s20 =	sadd.s32 $0x3540, s19  }
0x7a: {  	[hbm4b:s2+s11] =	stream.indirect.scatter [tilespmem:s3], [sflag:$0x3], $0x40, s20, s11, $0xb8;
	[tilespmem:$0x3F00] =	vst v63  }
0x7b: {  	s20 =	sadd.s32 $0x35A8, s19  }
0x7c: {  	[hbm4b:s2+s11] =	stream.indirect.scatter [tilespmem:s12], [sflag:$0x3], $0x40, s20, s11, $0xb8;
	[tilespmem:$0x3F00] =	vst v63  }
0x7d: {  	s20 =	sadd.s32 $0x3610, s19  }
0x7e: {  	[hbm4b:s2+s11] =	stream.indirect.scatter [tilespmem:s3], [sflag:$0x3], $0x40, s20, s11, $0xb8;
	[tilespmem:$0x3F00] =	vst v63  }
0x7f: {  	s20 =	sadd.s32 $0x3678, s19  }
0x80: {  	[hbm4b:s2+s11] =	stream.indirect.scatter [tilespmem:s12], [sflag:$0x3], $0x40, s20, s11, $0xb8;
	[tilespmem:$0x3F00] =	vst v63  }
0x81: {  	s20 =	sadd.s32 $0x36E0, s19  }
0x82: {  	[hbm4b:s2+s11] =	stream.indirect.scatter [tilespmem:s3], [sflag:$0x3], $0x40, s20, s11, $0xb8;
	[tilespmem:$0x3F00] =	vst v63  }
0x83: {  	s20 =	sadd.s32 $0x3748, s19  }
0x84: {  	[hbm4b:s2+s11] =	stream.indirect.scatter [tilespmem:s12], [sflag:$0x3], $0x40, s20, s11, $0xb8;
	[tilespmem:$0x3F00] =	vst v63  }
0x85: {  	s20 =	sadd.s32 $0x37B0, s19  }
0x86: {  	[hbm4b:s2+s11] =	stream.indirect.scatter [tilespmem:s3], [sflag:$0x3], $0x40, s20, s11, $0xb8;
	[tilespmem:$0x3F00] =	vst v63  }
0x87: {  	s18 =	sshrl.u32 @!p1 s18, $0x2;
	s19 =	sor.u32 $0x3818, s19  }
0x88: {  	[hbm4b:s2+s11] =	stream.indirect.scatter [tilespmem:s12], [sflag:$0x3], $0x40, s19, s11, $0xb8;
	[tilespmem:$0x3F00] =	vst v63  }
0x89: {  	s18 =	sadd.s32 @!p1 $0x3200, s18;
	s20 =	simm.s32 @!p1 $0x2;
	s19 =	simm.s32 @!p1 $0x0  }
0x8a: {  	[tilespmem:s18], [sflag:$0x2] =	stream.linear.gather @!p1 [hbm4b:s15+s19], $0x680, $0x38;
	[tilespmem:$0x3F00] =	vst v63  }
0x8b: {  	_ =	swait.ge @!p1 [sflag:s20], $0x680  }
0x8c: {  	[sflag:s20] =	ssyncset.done @!p1 $0x0  }
0x8d: {  	[sflag:s20] =	ssyncadd.s32 @!p1 $0xFFFFF980  }
0x8e: {  	_ =	swait.ge [sflag:s13], $0x1900  }
0x8f: {  	[sflag:s13] =	ssyncset.done $0x0  }
0x90: {  	[sflag:s13] =	ssyncadd.s32 $0xFFFFE700  }
0x91: {  	_ =	swait.ge [sflag:s13], $0x1900  }
0x92: {  	[sflag:s13] =	ssyncset.done $0x0  }
0x93: {  	[sflag:s13] =	ssyncadd.s32 $0xFFFFE700  }
0x94: {  	_ =	swait.ge [sflag:s13], $0x1900  }
0x95: {  	[sflag:s13] =	ssyncset.done $0x0  }
0x96: {  	[sflag:s13] =	ssyncadd.s32 $0xFFFFE700  }
0x97: {  	_ =	swait.ge [sflag:s13], $0x1900  }
0x98: {  	[sflag:s13] =	ssyncset.done $0x0  }
0x99: {  	[sflag:s13] =	ssyncadd.s32 $0xFFFFE700  }
0x9a: {  	_ =	swait.ge [sflag:s13], $0x1900  }
0x9b: {  	[sflag:s13] =	ssyncset.done $0x0  }
0x9c: {  	[sflag:s13] =	ssyncadd.s32 $0xFFFFE700  }
0x9d: {  	_ =	swait.ge [sflag:s13], $0x1900  }
0x9e: {  	[sflag:s13] =	ssyncset.done $0x0  }
0x9f: {  	[sflag:s13] =	ssyncadd.s32 $0xFFFFE700  }
0xa0: {  	_ =	swait.ge [sflag:s13], $0x1900  }
0xa1: {  	[sflag:s13] =	ssyncset.done $0x0  }
0xa2: {  	[sflag:s13] =	ssyncadd.s32 $0xFFFFE700  }
0xa3: {  	_ =	swait.ge [sflag:s13], $0x1900  }
0xa4: {  	[sflag:s13] =	ssyncset.done $0x0  }
0xa5: {  	[sflag:s13] =	ssyncadd.s32 $0xFFFFE700  }
0xa6: {  	_ =	swait.ge [sflag:s13], $0x1900  }
0xa7: {  	[sflag:s13] =	ssyncset.done $0x0  }
0xa8: {  	[sflag:s13] =	ssyncadd.s32 $0xFFFFE700  }
0xa9: {  	_ =	swait.ge [sflag:s13], $0x1900  }
0xaa: {  	[sflag:s13] =	ssyncset.done $0x0  }
0xab: {  	[sflag:s13] =	ssyncadd.s32 $0xFFFFE700  }
0xac: {  	_ =	swait.ge [sflag:s13], $0x1900  }
0xad: {  	[sflag:s13] =	ssyncset.done $0x0  }
0xae: {  	[sflag:s13] =	ssyncadd.s32 $0xFFFFE700  }
0xaf: {  	_ =	swait.ge [sflag:s13], $0x1900  }
0xb0: {  	[sflag:s13] =	ssyncset.done $0x0  }
0xb1: {  	[sflag:s13] =	ssyncadd.s32 $0xFFFFE700  }
0xb2: {  	_ =	swait.ge [sflag:s13], $0x1900  }
0xb3: {  	[sflag:s13] =	ssyncset.done $0x0  }
0xb4: {  	[sflag:s13] =	ssyncadd.s32 $0xFFFFE700  }
0xb5: {  	_ =	swait.ge [sflag:s13], $0x1900  }
0xb6: {  	[sflag:s13] =	ssyncset.done $0x0  }
0xb7: {  	[sflag:s13] =	ssyncadd.s32 $0xFFFFE700  }
.Ltmp0:
0xb8: {  	_ =	swait.ge [sflag:s13], $0x1900;
	(pc) =	sbr.rel @p0 .LBB2_2-.Ltmp0, $4  }
0xb9: {  	s18 =	sand.u32 $0x1, s17;
	p1 =	seq.s32 s17, $0x3F;
	[sflag:s13] =	ssyncset.done $0x0  }
0xba: {  	s17 =	smul.u32 $0x1A00, s18;
	s18 =	sxor.u32 @!p1 $0x1, s18;
	[sflag:s13] =	ssyncadd.s32 $0xFFFFE700  }
0xbb: {  	s18 =	smul.u32 @!p1 $0x1A00, s18;
	_ =	swait.ge [sflag:s13], $0x1900  }
0xbc: {  	s15 =	sadd.s32 $0xD0, s15;
	s19 =	sshrl.u32 s17, $0x2;
	[sflag:s13] =	ssyncset.done $0x0  }
0xbd: {  	s16 =	sadd.s32 $0x3200, s19;
	[sflag:s13] =	ssyncadd.s32 $0xFFFFE700  }
0xbe: {  	[hbm4b:s2+s11] =	stream.indirect.scatter [tilespmem:s3], [sflag:$0x3], $0x40, s16, s11, $0xb8;
	[tilespmem:$0x3F00] =	vst v63  }
0xbf: {  	s29 =	sadd.s32 $0x3268, s19  }
0xc0: {  	[hbm4b:s2+s11] =	stream.indirect.scatter [tilespmem:s12], [sflag:$0x3], $0x40, s29, s11, $0xb8;
	[tilespmem:$0x3F00] =	vst v63  }
0xc1: {  	s30 =	sadd.s32 $0x32D0, s19  }
0xc2: {  	[hbm4b:s2+s11] =	stream.indirect.scatter [tilespmem:s3], [sflag:$0x3], $0x40, s30, s11, $0xb8;
	[tilespmem:$0x3F00] =	vst v63  }
0xc3: {  	s31 =	sadd.s32 $0x3338, s19  }
0xc4: {  	[hbm4b:s2+s11] =	stream.indirect.scatter [tilespmem:s12], [sflag:$0x3], $0x40, s31, s11, $0xb8;
	[tilespmem:$0x3F00] =	vst v63  }
0xc5: {  	s17 =	sadd.s32 $0x33A0, s19  }
0xc6: {  	[hbm4b:s2+s11] =	stream.indirect.scatter [tilespmem:s3], [sflag:$0x3], $0x40, s17, s11, $0xb8;
	[tilespmem:$0x3F00] =	vst v63  }
0xc7: {  	s20 =	sadd.s32 $0x3408, s19  }
0xc8: {  	[hbm4b:s2+s11] =	stream.indirect.scatter [tilespmem:s12], [sflag:$0x3], $0x40, s20, s11, $0xb8;
	[tilespmem:$0x3F00] =	vst v63  }
0xc9: {  	s21 =	sadd.s32 $0x3470, s19  }
0xca: {  	[hbm4b:s2+s11] =	stream.indirect.scatter [tilespmem:s3], [sflag:$0x3], $0x40, s21, s11, $0xb8;
	[tilespmem:$0x3F00] =	vst v63  }
0xcb: {  	s22 =	sadd.s32 $0x34D8, s19  }
0xcc: {  	[hbm4b:s2+s11] =	stream.indirect.scatter [tilespmem:s12], [sflag:$0x3], $0x40, s22, s11, $0xb8;
	[tilespmem:$0x3F00] =	vst v63  }
0xcd: {  	s23 =	sadd.s32 $0x3540, s19  }
0xce: {  	[hbm4b:s2+s11] =	stream.indirect.scatter [tilespmem:s3], [sflag:$0x3], $0x40, s23, s11, $0xb8;
	[tilespmem:$0x3F00] =	vst v63  }
0xcf: {  	s24 =	sadd.s32 $0x35A8, s19  }
0xd0: {  	[hbm4b:s2+s11] =	stream.indirect.scatter [tilespmem:s12], [sflag:$0x3], $0x40, s24, s11, $0xb8;
	[tilespmem:$0x3F00] =	vst v63  }
0xd1: {  	s25 =	sadd.s32 $0x3610, s19  }
0xd2: {  	[hbm4b:s2+s11] =	stream.indirect.scatter [tilespmem:s3], [sflag:$0x3], $0x40, s25, s11, $0xb8;
	[tilespmem:$0x3F00] =	vst v63  }
0xd3: {  	s26 =	sadd.s32 $0x3678, s19  }
0xd4: {  	[hbm4b:s2+s11] =	stream.indirect.scatter [tilespmem:s12], [sflag:$0x3], $0x40, s26, s11, $0xb8;
	[tilespmem:$0x3F00] =	vst v63  }
0xd5: {  	s28 =	sadd.s32 $0x36E0, s19  }
0xd6: {  	[hbm4b:s2+s11] =	stream.indirect.scatter [tilespmem:s3], [sflag:$0x3], $0x40, s28, s11, $0xb8;
	[tilespmem:$0x3F00] =	vst v63  }
0xd7: {  	s29 =	sadd.s32 $0x3748, s19  }
0xd8: {  	[hbm4b:s2+s11] =	stream.indirect.scatter [tilespmem:s12], [sflag:$0x3], $0x40, s29, s11, $0xb8;
	[tilespmem:$0x3F00] =	vst v63  }
0xd9: {  	s30 =	sadd.s32 $0x37B0, s19  }
0xda: {  	[hbm4b:s2+s11] =	stream.indirect.scatter [tilespmem:s3], [sflag:$0x3], $0x40, s30, s11, $0xb8;
	[tilespmem:$0x3F00] =	vst v63  }
0xdb: {  	s31 =	sor.u32 $0x3818, s19;
	s17 =	sshrl.u32 @!p1 s18, $0x2  }
0xdc: {  	[hbm4b:s2+s11] =	stream.indirect.scatter [tilespmem:s12], [sflag:$0x3], $0x40, s31, s11, $0xb8;
	[tilespmem:$0x3F00] =	vst v63  }
0xdd: {  	s18 =	simm.s32 @!p1 $0x2;
	s16 =	sadd.s32 @!p1 $0x3200, s17;
	s17 =	simm.s32 @!p1 $0x0  }
0xde: {  	[tilespmem:s16], [sflag:$0x2] =	stream.linear.gather @!p1 [hbm4b:s15+s17], $0x680, $0x38;
	[tilespmem:$0x3F00] =	vst v63  }
0xdf: {  	_ =	swait.ge @!p1 [sflag:s18], $0x680  }
0xe0: {  	[sflag:s18] =	ssyncset.done @!p1 $0x0  }
0xe1: {  	[sflag:s18] =	ssyncadd.s32 @!p1 $0xFFFFF980  }
0xe2: {  	_ =	swait.ge [sflag:s13], $0x1900  }
0xe3: {  	[sflag:s13] =	ssyncset.done $0x0  }
0xe4: {  	[sflag:s13] =	ssyncadd.s32 $0xFFFFE700  }
0xe5: {  	_ =	swait.ge [sflag:s13], $0x1900  }
0xe6: {  	[sflag:s13] =	ssyncset.done $0x0  }
0xe7: {  	[sflag:s13] =	ssyncadd.s32 $0xFFFFE700  }
0xe8: {  	_ =	swait.ge [sflag:s13], $0x1900  }
0xe9: {  	[sflag:s13] =	ssyncset.done $0x0  }
0xea: {  	[sflag:s13] =	ssyncadd.s32 $0xFFFFE700  }
0xeb: {  	_ =	swait.ge [sflag:s13], $0x1900  }
0xec: {  	[sflag:s13] =	ssyncset.done $0x0  }
0xed: {  	[sflag:s13] =	ssyncadd.s32 $0xFFFFE700  }
0xee: {  	_ =	swait.ge [sflag:s13], $0x1900  }
0xef: {  	[sflag:s13] =	ssyncset.done $0x0  }
0xf0: {  	[sflag:s13] =	ssyncadd.s32 $0xFFFFE700  }
0xf1: {  	_ =	swait.ge [sflag:s13], $0x1900  }
0xf2: {  	[sflag:s13] =	ssyncset.done $0x0  }
0xf3: {  	[sflag:s13] =	ssyncadd.s32 $0xFFFFE700  }
0xf4: {  	_ =	swait.ge [sflag:s13], $0x1900  }
0xf5: {  	[sflag:s13] =	ssyncset.done $0x0  }
0xf6: {  	[sflag:s13] =	ssyncadd.s32 $0xFFFFE700  }
0xf7: {  	_ =	swait.ge [sflag:s13], $0x1900  }
0xf8: {  	[sflag:s13] =	ssyncset.done $0x0  }
0xf9: {  	[sflag:s13] =	ssyncadd.s32 $0xFFFFE700  }
0xfa: {  	_ =	swait.ge [sflag:s13], $0x1900  }
0xfb: {  	[sflag:s13] =	ssyncset.done $0x0  }
0xfc: {  	[sflag:s13] =	ssyncadd.s32 $0xFFFFE700  }
0xfd: {  	_ =	swait.ge [sflag:s13], $0x1900  }
0xfe: {  	[sflag:s13] =	ssyncset.done $0x0  }
0xff: {  	[sflag:s13] =	ssyncadd.s32 $0xFFFFE700  }
0x100: {  	_ =	swait.ge [sflag:s13], $0x1900  }
0x101: {  	[sflag:s13] =	ssyncset.done $0x0  }
0x102: {  	[sflag:s13] =	ssyncadd.s32 $0xFFFFE700  }
0x103: {  	_ =	swait.ge [sflag:s13], $0x1900  }
0x104: {  	[sflag:s13] =	ssyncset.done $0x0  }
0x105: {  	[sflag:s13] =	ssyncadd.s32 $0xFFFFE700  }
0x106: {  	_ =	swait.ge [sflag:s13], $0x1900  }
0x107: {  	[sflag:s13] =	ssyncset.done $0x0  }
0x108: {  	[sflag:s13] =	ssyncadd.s32 $0xFFFFE700  }
0x109: {  	_ =	swait.ge [sflag:s13], $0x1900  }
0x10a: {  	[sflag:s13] =	ssyncset.done $0x0  }
0x10b: {  	s14 =	sadd.s32 $0x1, s14;
	[sflag:s13] =	ssyncadd.s32 $0xFFFFE700  }
0x10c: {  	p0 =	sne.s32 s14, s6;
	_ =	swait.ge [sflag:s13], $0x1900  }
.Ltmp1:
0x10d: {  	[sflag:s13] =	ssyncset.done $0x0;
	(pc) =	sbr.rel @p0 .LBB2_1-.Ltmp1, $4  }
0x10e: {  	[sflag:s13] =	ssyncadd.s32 $0xFFFFE700  }
0x10f: {  	_ =	swait.ge [sflag:s13], $0x1900  }
0x110: {  	[sflag:s13] =	ssyncset.done $0x0  }
0x111: {  	[sflag:s13] =	ssyncadd.s32 $0xFFFFE700  }
0x112: {  	_ =	sfence.sel $0x180000  }
0x113: {  	[bflag:$0x0] =	sbarrier.arrive $0xFFFF  }
0x114: {  	p0 =	sne.s32 s0, $0x0;
	_ =	strace $0x90000047  }
0x115: {  	s0 =	sadd.s32 @!p0 $0x100000, s1;
	[bflag:$0x2] =	sbarrier.arrive $0xFFFF  }
0x116: {  	[sflag:s0] =	ssyncadd.tile.s32 @!p0 $0x1;
	_ =	shalt  }
.Lfunc_end2:
_tile_overlayer_lowered:
.L_overlay_start_2:
0x117: {  	(tag) =	ssettag $0x2  }
0x118: {  	s0 =	rddreg [dreg:$0x0];
	s2 =	stileid.u32  }
0x119: {  	s1 =	rddreg [dreg:$0x1];
	p0 =	sne.s32 s2, $0x0  }
0x11a: {  	s3 =	rddreg [dreg:$0x2];
	[bflag:$0x3] =	sbarrier.arrive $0xFFFF;
	s2 =	simm.s32 @!p0 $0x1C04  }
0x11b: {  	[timem:s3], [sflag:s2] =	dma.local @!p0 [hbm:s0], s1  }
0x11c: {  	s0 =	simm.s32 @!p0 $0x4  }
0x11d: {  	_ =	swait.ge @!p0 [sflag:s0], s1  }
0x11e: {  	s1 =	ssub.s32 @!p0 $0x0, s1;
	[sflag:s0] =	ssyncset.done @!p0 $0x0  }
0x11f: {  	[sflag:s0] =	ssyncadd.s32 @!p0 s1  }
0x120: {  	[bflag:$0x3] =	sbarrier.arrive $0xFFFF  }
0x121: {  	_ =	shalt  }

// kernel: sparse-core-data-format-call.cloned.1.call-start
scs
called_computation_lowered:
.L_overlay_start_0:
0x0: {  	s2 =	sld [smem:$0x3FD9]  }
0x1: {  	s3 =	sld [smem:$0x3FFE];
	_ =	sdelay $0x1  }
0x2: {  	s1 =	srdreg.scid  }
0x3: {  	s0 =	sand.u32 $0x1, s1  }
0x4: {  	s18 =	sshll.u32 s0, $0xA;
	s2 =	sadd.s32 s3, s2  }
0x5: {  	s2 =	sadd.s32 s2, s18  }
0x6: {  	[smem:$0x3FC6] =	sst s2  }
0x7: {  	_ = 	snop  }
0x8: {  	s2 =	sld [smem:$0x3FD0];
	(tm) =	ssettm $0x1  }
0x9: {  	s19 =	sld [smem:$0x3FFB];
	_ =	sdelay $0x3  }
0xa: {  	_ =	strace s19  }
0xb: {  	s3 =	sld [smem:$0x3FFC];
	_ =	sdelay $0x3  }
0xc: {  	_ =	strace s3  }
0xd: {  	s3 =	sld [smem:$0x3FFD];
	_ =	sdelay $0x3  }
0xe: {  	_ =	strace s3  }
0xf: {  	_ =	strace $0x8FFFFFFF  }
0x10: {  	s20 =	sld [smem:$0x3FDB];
	_ =	sdelay $0x1  }
0x11: {  	s4 =	simm.s32 $_scs_section_size  }
0x12: {  	s5 =	simm.s32 $_size__tile_overlayer_lowered;
	s6 =	simm.s32 $_tile_overlayer_lowered  }
0x13: {  	s23 =	simm.s32 $0x1BFF;
	s22 =	sshll.u32 s6, $0x1;
	s3 =	sadd.s32 s4, s20  }
0x14: {  	s7 =	simm.s32 $0x0;
	s21 =	sshll.u32 s5, $0x1;
	s5 =	sadd.s32 s22, s3  }
0x15: {  	[timem:s7], [sflag:s23] =	dma.local [hbm:s5], s21  }
0x16: {  	_ =	swait.ge [sflag:s23], s21  }
0x17: {  	s4 =	ssub.s32 $0x0, s21;
	[sflag:s23] =	ssyncset.done $0x0  }
0x18: {  	[sflag:s23] =	ssyncadd.s32 s4;
	_ =	sdelay $0x1  }
0x19: {  	s24 =	simm.s32 $0x1B8B  }
0x1a: {  	_ =	swait.ge [sflag:s24], $0x1  }
0x1b: {  	[sflag:s24] =	ssyncset.done $0x0  }
0x1c: {  	s26 =	simm.s32 $0x1B8E;
	s25 =	sld [smem:$0x3FFE];
	[sflag:s24] =	ssyncadd.s32 $0xFFFFFFFF  }
0x1d: {  	s27 =	simm.s32 $execute0_lowered;
	[smem:$0x3FD2] =	sst s26  }
0x1e: {  	s5 =	sshll.u32 s27, $0x1;
	_ =	strace $0x80000049;
	[dreg:$0x1] =	wrdreg $0xFFFFFFFF  }
0x1f: {  	s28 =	simm.s32 $_size_execute0_lowered;
	s3 =	sadd.s32 s3, s5;
	[dreg:$0x0] =	wrdreg $0x0  }
0x20: {  	s5 =	sshll.u32 s28, $0x1;
	[dreg:$0x2] =	wrdreg s3  }
0x21: {  	[dreg:$0x3] =	wrdreg s5  }
0x22: {  	[dreg:$0x4] =	wrdreg $0xC0  }
0x23: {  	_ =	task [dreg:s7], $0x5FFFF  }
0x24: {  	[dreg:$0x1] =	wrdreg $0xFFFFFFFF  }
0x25: {  	[dreg:$0x0] =	wrdreg $0x60  }
0x26: {  	[dreg:$0x2] =	wrdreg s25  }
0x27: {  	[dreg:$0x3] =	wrdreg s2  }
0x28: {  	[dreg:$0x4] =	wrdreg $0x9  }
0x29: {  	_ =	task.clear_ibuf [dreg:s7], $0x5FFFF;
	_ =	strace $0x90000049  }
0x2a: {  	s29 =	simm.s32 $0x9;
	_ =	strace $0x8000004B  }
0x2b: {  	_ =	swait.ge [sflag:s29], $0x1  }
0x2c: {  	[sflag:s29] =	ssyncadd.s32 $0xFFFFFFFF  }
0x2d: {  	_ =	strace $0x9000004B  }
0x2e: {  	_ =	sfence  }
0x2f: {  	s30 =	sld [smem:$0x0];
	_ =	sdelay $0x2  }
0x30: {  	s31 =	sshll.u32 s1, $0xD;
	s1 =	sshrl.u32 s1, $0x2  }
0x31: {  	s3 =	sand.u32 $0x4000, s31;
	s1 =	sadd.s32 s1, s30  }
0x32: {  	s0 =	sor.u32 s3, s0;
	s1 =	sshll.u32 s1, $0x11  }
0x33: {  	s0 =	sor.u32 s1, s0  }
0x34: {  	s0 =	sadd.s32 $0x8F2B, s0  }
0x35: {  	[sflag:s0] =	ssyncadd.remote.s32 $0x1  }
0x36: {  	_ =	sfence.sel $0xFFFF  }
0x37: {  	[dreg:$0x0] =	wrdreg $0xFFFFFFFF;
	(pc) =	sbr.abs _section_cstart, $3  }
0x38: {  	[dreg:$0x1] =	wrdreg $0xFFFFFFFF  }
0x39: {  	_ =	task.clear_ibuf [dreg:s7], $0x2FFFF;
	_ =	strace $0x9FFFFFFF  }
0x3a: {  	(tm) =	ssettm $0x7FFFFFFF  }
0x3b: {  	_ =	shalt  }
tec
execute0_lowered:
.L_overlay_start_1:
0x0: {  	(tag) =	ssettag $0x1  }
0x1: {  	s0 =	srdreg.scid  }
0x2: {  	s1 =	sshll.u32 s0, $0x4  }
0x3: {  	s0 =	stileid.u32;
	s1 =	sand.u32 $0x10, s1  }
0x4: {  	s1 =	sor.u32 s0, s1  }
0x5: {  	s6 =	rddreg [dreg:$0x0];
	s4 =	simm.s32 $0x1;
	s2 =	sshll.u32 s1, $0x7  }
0x6: {  	s7 =	simm.s32 $0x2;
	s12 =	simm.s32 $0x0;
	s1 =	ssub.s32 $0x4000, s2  }
0x7: {  	s8 =	simm.s32 $0x20000;
	s13 =	simm.s32 $0x0;
	s3 =	sand.u32 $0xF80, s1  }
0x8: {  	s9 =	simm.s32 $0x0;
	s5 =	sshrl.u32 s1, $0xC;
	p0 =	sne.s32 s3, $0x0  }
.Ltmp0:
0x9: {  	s1 =	rddreg [dreg:$0x2];
	s4 =	simm.s32 @!p0 $0x0;
	(pc) =	sbr.rel .LBB1_1-.Ltmp0, $4  }
0xa: {  	s11 =	simm.s32 $0x0;
	s3 =	rddreg [dreg:$0x1];
	s5 =	sadd.s32 s4, s5  }
0xb: {  	_ =	strace $0x8000004A;
	s4 =	simm.s32 $0x1;
	s5 =	smul.u32 $0xC8, s5  }
0xc: {  	s6 =	sadd.s32 $0x800, s6;
	s10 =	smov.u32 s2;
	[sflag:s4] =	ssyncpa.u1 $0x0  }
0xd: {  	p0 =	por $0x0, $0x0;
	[sflag:s7] =	ssyncpa.u1 $0x0;
	s7 =	sor.u32 $0x1, s5  }
.LBB1_4:
0xe: {  	s16 =	sshll.u32 s13, $0x3;
	s17 =	sand.u32 $0x78, s13  }
0xf: {  	s30 =	sand.u32 $0x1F800, s13;
	s12 =	sshll.u32 s12, $0x11;
	s16 =	sand.u32 $0x3C00, s16  }
0x10: {  	[tilespmem:s15+$0x810 ss:$0x81] =	vst.msk $0xffff, v2;
	s31 =	sand.u32 $0x7, s13;
	s16 =	sor.u32 s17, s16;
	s17 =	sadd.s32 s3, s30  }
0x11: {  	[tilespmem:s15+$0x1020 ss:$0x81] =	vst.msk $0xffff, v0;
	s13 =	sshll.u32 s31, $0x12;
	s12 =	sadd.s32 s12, s17;
	s16 =	sshrl.u32 s16, $0x3  }
0x12: {  	[tilespmem:s15+$0x0 ss:$0x81] =	vst.msk $0xffff, v1;
	s13 =	sor.u32 $0x400, s13;
	s12 =	sadd.s32 s16, s12  }
0x13: {  	[hbm4b:s12+s13] =	stream.strided.scatter [tilespmem:s14], [sflag:$0x2], $0x2000, s8, s13, $0x20;
	[tilespmem:$0x8080] =	vst v63  }
.LBB1_5:
0x14: {  	s14 =	sadd.s32 $0x1, s9  }
0x15: {  	s12 =	sadd.s32 $0x1000, s10;
	s16 =	smov.u32 s10;
	p2 =	sgt.s32 s14, $0xC7  }
0x16: {  	s16 =	smov.u32 @p2 s12  }
0x17: {  	s14 =	simm.s32 @p2 $0x0;
	p2 =	sgt.s32 s16, $0x3FFF  }
0x18: {  	s16 =	smov.u32 @p2 s2;
	p2 =	sne.s32 s11, s7  }
.Ltmp1:
0x19: {  	p1 =	slt.u32 s11, $0x2;
	(pc) =	sbr.rel @!p2 .LBB1_6-.Ltmp1, $4  }
0x1a: {  	s15 =	simm.s32 @!p1 $0x2  }
0x1b: {  	s13 =	smov.u32 s10;
	p0 =	por !p0, !p0;
	_ =	swait.ge @!p1 [sflag:s15], $0x2000  }
0x1c: {  	s12 =	smov.u32 s9;
	[sflag:s15] =	ssyncset.done @!p1 $0x0;
	s9 =	smov.u32 s14  }
0x1d: {  	s11 =	sadd.s32 $0x1, s11;
	[sflag:s15] =	ssyncadd.s32 @!p1 $0xFFFFE000;
	s10 =	smov.u32 s16  }
.LBB1_1:
0x1e: {  	p1 =	sge.u32 s11, s5  }
0x1f: {  	s14 =	sand.u32 @!p1 $0x1FFFFFF, s9  }
0x20: {  	s15 =	smulhi.u32 @!p1 $0x147AE15, s14;
	_ =	sdelay $0x1  }
0x21: {  	s15 =	smul.u32 @!p1 $0xC8, s15  }
0x22: {  	s16 =	sxor.u32 @!p1 $0xFFFFFFFF, s11;
	s17 =	smul.u32 @!p1 $0xC80, s10  }
0x23: {  	s31 =	sadd.s32 $0xFFFFFFFF, s11;
	s16 =	sshll.u32 @!p1 s16, $0xD;
	s14 =	ssub.s32 @!p1 s14, s15  }
0x24: {  	s15 =	sand.u32 @!p1 $0x2000, s16;
	s16 =	sadd.s32 @!p1 s6, s17;
	s14 =	sshll.u32 @!p1 s14, $0x4  }
0x25: {  	s17 =	simm.s32 @!p1 $0x6400;
	s14 =	sadd.s32 @!p1 s14, s16;
	s16 =	simm.s32 @!p1 $0x40  }
0x26: {  	[tilespmem:s15], [sflag:$0x1] =	stream.strided.gather @!p1 [hbm4b:s14+s16], $0x2000, s17, s16, $0x38;
	[tilespmem:$0x8080] =	vst v63  }
0x27: {  	p1 =	sge.u32 s31, s5  }
.Ltmp2:
0x28: {  	_ = 	snop;
	(pc) =	sbr.rel @p1 .LBB1_5-.Ltmp2, $1  }
0x29: {  	_ =	sdelay $0x3  }
0x2a: {  	s14 =	simm.s32 $0x1  }
0x2b: {  	_ =	swait.ge [sflag:s4], $0x2000;
	s14 =	simm.s32 @!p0 $0x0  }
0x2c: {  	[sflag:s4] =	ssyncset.done $0x0;
	s15 =	sshll.u32 s14, $0xD  }
0x2d: {  	[sflag:s4] =	ssyncadd.s32 $0xFFFFE000;
	s18 =	sor.u32 $0x20, s15  }
0x2e: {  	s14 =	smul.u32 $0x8100, s14;
	v3 =	vld [tilespmem:s18+$0x10]  }
0x2f: {  	s30 =	sand.u32 $0x1, s11;
	v2 =	vld [tilespmem:s18+$0xFFFFFFF0]  }
0x30: {  	s15 =	smul.u32 $0x8100, s30;
	s14 =	sshrl.u32 s14, $0x2;
	v0 =	vld [tilespmem:s18+$0x0]  }
0x31: {  	v1 =	vld [tilespmem:s18+$0xFFFFFFE0];
	s16 =	sor.u32 $0x4000, s14  }
0x32: {  	s31 =	sshrl.u32 s15, $0x2;
	s15 =	sadd.s32 $0x0, s16  }
0x33: {  	s17 =	simm.s32 $0x4;
	s18 =	sadd.s32 $0x40, s18;
	s14 =	sor.u32 $0x4000, s31;
	[tilespmem:s15+$0x1830 ss:$0x81] =	vst.msk $0xffff, v3  }
.LBB1_3:
0x34: {  	v3 =	vld [tilespmem:s18+$0x10];
	p1 =	sne.s32 s17, $0x1FC;
	[tilespmem:s15+$0x810 ss:$0x81] =	vst.msk $0xffff, v2;
	s19 =	smov.u32 s17;
	s17 =	sadd.s32 $0x4, s17  }
.Ltmp3:
0x35: {  	v2 =	vld [tilespmem:s18+$0xFFFFFFF0];
	[tilespmem:s15+$0x1020 ss:$0x81] =	vst.msk $0xffff, v0;
	(pc) =	sbr.rel @p1 .LBB1_3-.Ltmp3, $4  }
0x36: {  	v0 =	vld [tilespmem:s18+$0x0];
	[tilespmem:s15+$0x0 ss:$0x81] =	vst.msk $0xffff, v1  }
0x37: {  	s15 =	sshra.s32 s19, $0x2;
	v1 =	vld [tilespmem:s18+$0xFFFFFFE0]  }
0x38: {  	s15 =	sadd.s32 s15, s16  }
0x39: {  	s18 =	sadd.s32 $0x40, s18;
	[tilespmem:s15+$0x1830 ss:$0x81] =	vst.msk $0xffff, v3  }
.Ltmp4:
0x3a: {  	_ = 	snop;
	(pc) =	sbr.rel .LBB1_4-.Ltmp4, $1  }
0x3b: {  	_ =	sdelay $0x3  }
.LBB1_6:
0x3c: {  	_ =	sfence.sel $0x180000  }
0x3d: {  	s2 =	simm.s32 $0x1;
	[bflag:$0x0] =	sbarrier.arrive $0xFFFF  }
0x3e: {  	s31 =	simm.s32 $0x2;
	[sflag:s2] =	ssyncpa.u1 $0x1  }
0x3f: {  	[sflag:s31] =	ssyncpa.u1 $0x1  }
0x40: {  	p0 =	sne.s32 s0, $0x0;
	_ =	strace $0x9000004A  }
0x41: {  	s0 =	sadd.s32 @!p0 $0x100000, s1;
	[bflag:$0x2] =	sbarrier.arrive $0xFFFF  }
0x42: {  	[sflag:s0] =	ssyncadd.tile.s32 @!p0 $0x1;
	_ =	shalt  }
.Lfunc_end1:
_tile_overlayer_lowered:
.L_overlay_start_2:
0x43: {  	(tag) =	ssettag $0x2  }
0x44: {  	s0 =	rddreg [dreg:$0x0];
	s2 =	stileid.u32  }
0x45: {  	s1 =	rddreg [dreg:$0x1];
	p0 =	sne.s32 s2, $0x0  }
0x46: {  	s3 =	rddreg [dreg:$0x2];
	[bflag:$0x3] =	sbarrier.arrive $0xFFFF;
	s2 =	simm.s32 @!p0 $0x1C01  }
0x47: {  	[timem:s3], [sflag:s2] =	dma.local @!p0 [hbm:s0], s1  }
0x48: {  	s0 =	simm.s32 @!p0 $0x1  }
0x49: {  	_ =	swait.ge @!p0 [sflag:s0], s1  }
0x4a: {  	s1 =	ssub.s32 @!p0 $0x0, s1;
	[sflag:s0] =	ssyncset.done @!p0 $0x0  }
0x4b: {  	[sflag:s0] =	ssyncadd.s32 @!p0 s1  }
0x4c: {  	[bflag:$0x3] =	sbarrier.arrive $0xFFFF  }
0x4d: {  	_ =	shalt  }

</sc_bundles>
